<compile_context>
chip_gen: v7x
topology: tpu7x:2x2x1
jax: 0.10.2.dev20260603
libtpu: 0.0.44.dev20260713+nightly
codegen_flags: <defaults>
</compile_context>

<pallas_src>
import functools

import jax
import jax.numpy as jnp
from jax import lax
from jax.experimental import pallas as pl
from jax.experimental.pallas import tpu as pltpu
from jax.experimental.pallas import tpu_sc as plsc

N, K, D = 65536, 1024, 32
NB = 2048


RC = 512


KC = 128


def _dist_body(x_ref, c_ref, dist_ref, lab_ref):
    cb_all = c_ref[...]
    c_sq_all = jnp.sum(cb_all * cb_all, axis=1)[None, :]
    for c in range(NB // RC):
        xc = x_ref[pl.ds(c * RC, RC), :]
        x_sq = jnp.sum(xc * xc, axis=1, keepdims=True)
        best_v = jnp.full((RC, KC), jnp.inf, jnp.float32)
        best_i = jnp.zeros((RC, KC), jnp.int32)
        col = lax.broadcasted_iota(jnp.int32, (RC, KC), 1)
        for k in range(K // KC):
            cb = cb_all[k * KC:(k + 1) * KC, :]
            dot = lax.dot_general(xc, cb, (((1,), (1,)), ((), ())),
                                  preferred_element_type=jnp.float32)
            dist = x_sq + c_sq_all[:, k * KC:(k + 1) * KC] - 2.0 * dot
            dist_ref[pl.ds(c * RC, RC), pl.ds(k * KC, KC)] = dist
            upd = dist < best_v
            best_i = jnp.where(upd, col + k * KC, best_i)
            best_v = jnp.where(upd, dist, best_v)
        m = jnp.min(best_v, axis=1, keepdims=True)
        lab = jnp.min(jnp.where(best_v == m, best_i, jnp.int32(1 << 30)),
                      axis=1).astype(jnp.int32)
        lab_ref[pl.ds(c * (RC // 128), RC // 128), :] = lab.reshape(RC // 128, 128)


_info = plsc.get_sparse_core_info()
_NW = _info.num_cores * _info.num_subcores
_BPW = N // _NW
_NCH = 4
_CH = _BPW // _NCH
_sc_mesh = plsc.VectorSubcoreMesh(core_axis_name="c", subcore_axis_name="s")


@functools.partial(
    pl.kernel, mesh=_sc_mesh,
    compiler_params=pltpu.CompilerParams(use_tc_tiling_on_sc=False),
    out_type=jax.ShapeDtypeStruct((N, D), jnp.float32),
    scratch_types=[
        pltpu.VMEM((_BPW,), jnp.int32),
        pltpu.VMEM((_NCH, _CH, D), jnp.float32),
        pltpu.SemaphoreType.DMA((_NCH,)),
        pltpu.SemaphoreType.DMA((_NCH,)),
    ],
)
def _sc_gather(table_hbm, idx_hbm, out_hbm, idx_v, rows_v, gsem, osem):
    wid = lax.axis_index("s") * _info.num_cores + lax.axis_index("c")
    base = wid * _BPW
    pltpu.sync_copy(idx_hbm.at[pl.ds(base, _BPW)], idx_v)
    gathers = [
        pltpu.async_copy(table_hbm.at[idx_v.at[pl.ds(c * _CH, _CH)]],
                         rows_v.at[c], gsem.at[c])
        for c in range(_NCH)
    ]
    stores = []
    for c in range(_NCH):
        gathers[c].wait()
        stores.append(
            pltpu.async_copy(rows_v.at[c],
                             out_hbm.at[pl.ds(base + c * _CH, _CH)],
                             osem.at[c]))
    for s in stores:
        s.wait()


def kernel(input, codebook):
    dist, lab2d = pl.pallas_call(
        _dist_body,
        grid=(N // NB,),
        in_specs=[
            pl.BlockSpec((NB, D), lambda i: (i, 0)),
            pl.BlockSpec((K, D), lambda i: (0, 0)),
        ],
        out_specs=[
            pl.BlockSpec((NB, K), lambda i: (i, 0)),
            pl.BlockSpec((NB // 128, 128), lambda i: (i, 0)),
        ],
        out_shape=[
            jax.ShapeDtypeStruct((N, K), jnp.float32),
            jax.ShapeDtypeStruct((N // 128, 128), jnp.int32),
        ],
    )(input, codebook)
    labels = lab2d.reshape(N)
    preds = _sc_gather(codebook, labels)
    return preds, labels.astype(jnp.int64), dist

# --- scband reference (transcript-rebuilt; emitter-appended) ---
"""Pipeline reference for scband-kmeans-codebook-14190571946134 (READ-ONLY COPY).

The authoritative reference and input builder live on the scoring server;
editing this copy changes nothing except your own understanding.
"""

import jax, jax.numpy as jnp
import numpy as np


def setup_inputs(seed: int = 0) -> dict:
    key = jax.random.key(seed)
    k1, k2 = jax.random.split(key)
    inp = jax.random.normal(k1, (65536, 32), dtype=jnp.float32)
    codebook = jax.random.normal(k2, (1024, 32), dtype=jnp.float32)
    return {"input": inp, "codebook": codebook}


def reference(input, codebook):
    # distances_ij = sum_d (x_i[d] - c_j[d])**2, expanded as ||x||^2 + ||c||^2 - 2 x.c
    x_sq = jnp.sum(input ** 2, axis=1, keepdims=True)          # [N, 1]
    c_sq = jnp.sum(codebook ** 2, axis=1)[None, :]             # [1, K]
    distances_ij = x_sq + c_sq - 2.0 * (input @ codebook.T)    # [N, K]
    class_labels = jnp.argmin(distances_ij, axis=1).astype(jnp.int64)  # [N]
    preds = jnp.take(codebook, class_labels, axis=0)           # embedding lookup [N, D]
    return (preds, class_labels, distances_ij)

if __name__ == "__main__":
    import jax
    _d = setup_inputs()
    print(jax.jit(kernel)(*tuple(_d.values())))

</pallas_src>

<mosaic_0001>
#map = affine_map<(d0, d1) -> (0, 0)>
#map1 = affine_map<(d0, d1) -> (0)>
module attributes {stable_mosaic.version = 14 : i64} {
  func.func @_sc_gather(%arg0: i32, %arg1: i32, %arg2: memref<1024x32xf32, #tpu.memory_space<hbm>>, %arg3: memref<65536xi32, #tpu.memory_space<hbm>>, %arg4: memref<65536x32xf32, #tpu.memory_space<hbm>>, %arg5: memref<2048xi32, #tpu.memory_space<vmem>>, %arg6: memref<4x512x32xf32, #tpu.memory_space<vmem>>, %arg7: memref<4x!tpu.dma_semaphore, #tpu.memory_space<semaphore_mem>>, %arg8: memref<4x!tpu.dma_semaphore, #tpu.memory_space<semaphore_mem>>) attributes {dimension_semantics = [#tpu.dimension_semantics<core_parallel>, #tpu.dimension_semantics<subcore_parallel>], iteration_bounds = array<i64: 2, 16>, scalar_prefetch = 0 : i64, scratch_operands = 4 : i64, tpu.core_type = #tpu.core_type<sc_vector_subcore>, window_params = [{transform_indices = #map}, {transform_indices = #map1}, {transform_indices = #map}]} {
    %mul3A = arith.constant 2 : i32
    %mul3A_0 = arith.muli %arg1, %mul3A : i32
    %add3A = arith.addi %mul3A_0, %arg0 : i32
    %mul3A_1 = arith.constant 2048 : i32
    %mul3A_2 = arith.muli %add3A, %mul3A_1 : i32
    "tpu.region"() ({
      %run_scoped3A = tpu.sem_alloc : memref<!tpu.dma_semaphore, #tpu.memory_space<semaphore_mem>>
      %dma_start3A_241 = tpu.memref_slice %arg3[%mul3A_2] : memref<65536xi32, #tpu.memory_space<hbm>> -> memref<2048xi32, #tpu.memory_space<hbm>>
      %dma_start3A_242 = tpu.memref_slice %arg3[%mul3A_2] : memref<65536xi32, #tpu.memory_space<hbm>> -> memref<2048xi32, #tpu.memory_space<hbm>>
      tpu.enqueue_dma source(%dma_start3A_242 : memref<2048xi32, #tpu.memory_space<hbm>>) target(%arg5 : memref<2048xi32, #tpu.memory_space<vmem>>) target_semaphore(%run_scoped3A : memref<!tpu.dma_semaphore, #tpu.memory_space<semaphore_mem>>)
      %dma_wait3A_243 = tpu.memref_slice %arg3[%mul3A_2] : memref<65536xi32, #tpu.memory_space<hbm>> -> memref<2048xi32, #tpu.memory_space<hbm>>
      %dma_wait3A_244 = tpu.memref_slice %arg3[%mul3A_2] : memref<65536xi32, #tpu.memory_space<hbm>> -> memref<2048xi32, #tpu.memory_space<hbm>>
      tpu.wait_dma2 semaphore(%run_scoped3A : memref<!tpu.dma_semaphore, #tpu.memory_space<semaphore_mem>>) src(%dma_wait3A_244 : memref<2048xi32, #tpu.memory_space<hbm>>) dst(%arg5 : memref<2048xi32, #tpu.memory_space<vmem>>)
      tpu.yield
    }) : () -> ()
    %dma_start3A = arith.constant 0 : i32
    %dma_start3A_3 = arith.constant 0 : i32
    %dma_start3A_4 = arith.constant 0 : i32
    %dma_start3A_5 = arith.constant 0 : i32
    %dma_start3A_6 = tpu.memref_slice %arg6[%dma_start3A, %dma_start3A_4, %dma_start3A_5] : memref<4x512x32xf32, #tpu.memory_space<vmem>> -> memref<1x512x32xf32, #tpu.memory_space<vmem>>
    %dma_start3A_7 = tpu.memref_squeeze %dma_start3A_6 : memref<1x512x32xf32, #tpu.memory_space<vmem>> -> memref<512x32xf32, #tpu.memory_space<vmem>>
    %dma_start3A_8 = arith.constant 0 : i32
    %dma_start3A_9 = tpu.memref_slice %arg5[%dma_start3A_8] : memref<2048xi32, #tpu.memory_space<vmem>> -> memref<512xi32, #tpu.memory_space<vmem>>
    %dma_start3A_10 = arith.constant 0 : i32
    %dma_start3A_11 = arith.constant 0 : i32
    %dma_start3A_12 = tpu.memref_slice %arg2[%dma_start3A_10, %dma_start3A_11] : memref<1024x32xf32, #tpu.memory_space<hbm>> -> memref<1024x32xf32, #tpu.memory_space<hbm>>
    %dma_start3A_13 = tpu.memref_slice %arg7[%dma_start3A_3] : memref<4x!tpu.dma_semaphore, #tpu.memory_space<semaphore_mem>> -> memref<1x!tpu.dma_semaphore, #tpu.memory_space<semaphore_mem>>
    %dma_start3A_14 = tpu.memref_squeeze %dma_start3A_13 : memref<1x!tpu.dma_semaphore, #tpu.memory_space<semaphore_mem>> -> memref<!tpu.dma_semaphore, #tpu.memory_space<semaphore_mem>>
    tpu.enqueue_indirect_dma source(%dma_start3A_12 : memref<1024x32xf32, #tpu.memory_space<hbm>>) target(%dma_start3A_7 : memref<512x32xf32, #tpu.memory_space<vmem>>) offsets(%dma_start3A_9 : memref<512xi32, #tpu.memory_space<vmem>>) semaphore(%dma_start3A_14 : memref<!tpu.dma_semaphore, #tpu.memory_space<semaphore_mem>>)
    %dma_start3A_15 = arith.constant 1 : i32
    %dma_start3A_16 = arith.constant 1 : i32
    %dma_start3A_17 = arith.constant 0 : i32
    %dma_start3A_18 = arith.constant 0 : i32
    %dma_start3A_19 = tpu.memref_slice %arg6[%dma_start3A_15, %dma_start3A_17, %dma_start3A_18] : memref<4x512x32xf32, #tpu.memory_space<vmem>> -> memref<1x512x32xf32, #tpu.memory_space<vmem>>
    %dma_start3A_20 = tpu.memref_squeeze %dma_start3A_19 : memref<1x512x32xf32, #tpu.memory_space<vmem>> -> memref<512x32xf32, #tpu.memory_space<vmem>>
    %dma_start3A_21 = arith.constant 512 : i32
    %dma_start3A_22 = tpu.memref_slice %arg5[%dma_start3A_21] : memref<2048xi32, #tpu.memory_space<vmem>> -> memref<512xi32, #tpu.memory_space<vmem>>
    %dma_start3A_23 = arith.constant 0 : i32
    %dma_start3A_24 = arith.constant 0 : i32
    %dma_start3A_25 = tpu.memref_slice %arg2[%dma_start3A_23, %dma_start3A_24] : memref<1024x32xf32, #tpu.memory_space<hbm>> -> memref<1024x32xf32, #tpu.memory_space<hbm>>
    %dma_start3A_26 = tpu.memref_slice %arg7[%dma_start3A_16] : memref<4x!tpu.dma_semaphore, #tpu.memory_space<semaphore_mem>> -> memref<1x!tpu.dma_semaphore, #tpu.memory_space<semaphore_mem>>
    %dma_start3A_27 = tpu.memref_squeeze %dma_start3A_26 : memref<1x!tpu.dma_semaphore, #tpu.memory_space<semaphore_mem>> -> memref<!tpu.dma_semaphore, #tpu.memory_space<semaphore_mem>>
    tpu.enqueue_indirect_dma source(%dma_start3A_25 : memref<1024x32xf32, #tpu.memory_space<hbm>>) target(%dma_start3A_20 : memref<512x32xf32, #tpu.memory_space<vmem>>) offsets(%dma_start3A_22 : memref<512xi32, #tpu.memory_space<vmem>>) semaphore(%dma_start3A_27 : memref<!tpu.dma_semaphore, #tpu.memory_space<semaphore_mem>>)
    %dma_start3A_28 = arith.constant 2 : i32
    %dma_start3A_29 = arith.constant 2 : i32
    %dma_start3A_30 = arith.constant 0 : i32
    %dma_start3A_31 = arith.constant 0 : i32
    %dma_start3A_32 = tpu.memref_slice %arg6[%dma_start3A_28, %dma_start3A_30, %dma_start3A_31] : memref<4x512x32xf32, #tpu.memory_space<vmem>> -> memref<1x512x32xf32, #tpu.memory_space<vmem>>
    %dma_start3A_33 = tpu.memref_squeeze %dma_start3A_32 : memref<1x512x32xf32, #tpu.memory_space<vmem>> -> memref<512x32xf32, #tpu.memory_space<vmem>>
    %dma_start3A_34 = arith.constant 1024 : i32
    %dma_start3A_35 = tpu.memref_slice %arg5[%dma_start3A_34] : memref<2048xi32, #tpu.memory_space<vmem>> -> memref<512xi32, #tpu.memory_space<vmem>>
    %dma_start3A_36 = arith.constant 0 : i32
    %dma_start3A_37 = arith.constant 0 : i32
    %dma_start3A_38 = tpu.memref_slice %arg2[%dma_start3A_36, %dma_start3A_37] : memref<1024x32xf32, #tpu.memory_space<hbm>> -> memref<1024x32xf32, #tpu.memory_space<hbm>>
    %dma_start3A_39 = tpu.memref_slice %arg7[%dma_start3A_29] : memref<4x!tpu.dma_semaphore, #tpu.memory_space<semaphore_mem>> -> memref<1x!tpu.dma_semaphore, #tpu.memory_space<semaphore_mem>>
    %dma_start3A_40 = tpu.memref_squeeze %dma_start3A_39 : memref<1x!tpu.dma_semaphore, #tpu.memory_space<semaphore_mem>> -> memref<!tpu.dma_semaphore, #tpu.memory_space<semaphore_mem>>
    tpu.enqueue_indirect_dma source(%dma_start3A_38 : memref<1024x32xf32, #tpu.memory_space<hbm>>) target(%dma_start3A_33 : memref<512x32xf32, #tpu.memory_space<vmem>>) offsets(%dma_start3A_35 : memref<512xi32, #tpu.memory_space<vmem>>) semaphore(%dma_start3A_40 : memref<!tpu.dma_semaphore, #tpu.memory_space<semaphore_mem>>)
    %dma_start3A_41 = arith.constant 3 : i32
    %dma_start3A_42 = arith.constant 3 : i32
    %dma_start3A_43 = arith.constant 0 : i32
    %dma_start3A_44 = arith.constant 0 : i32
    %dma_start3A_45 = tpu.memref_slice %arg6[%dma_start3A_41, %dma_start3A_43, %dma_start3A_44] : memref<4x512x32xf32, #tpu.memory_space<vmem>> -> memref<1x512x32xf32, #tpu.memory_space<vmem>>
    %dma_start3A_46 = tpu.memref_squeeze %dma_start3A_45 : memref<1x512x32xf32, #tpu.memory_space<vmem>> -> memref<512x32xf32, #tpu.memory_space<vmem>>
    %dma_start3A_47 = arith.constant 1536 : i32
    %dma_start3A_48 = tpu.memref_slice %arg5[%dma_start3A_47] : memref<2048xi32, #tpu.memory_space<vmem>> -> memref<512xi32, #tpu.memory_space<vmem>>
    %dma_start3A_49 = arith.constant 0 : i32
    %dma_start3A_50 = arith.constant 0 : i32
    %dma_start3A_51 = tpu.memref_slice %arg2[%dma_start3A_49, %dma_start3A_50] : memref<1024x32xf32, #tpu.memory_space<hbm>> -> memref<1024x32xf32, #tpu.memory_space<hbm>>
    %dma_start3A_52 = tpu.memref_slice %arg7[%dma_start3A_42] : memref<4x!tpu.dma_semaphore, #tpu.memory_space<semaphore_mem>> -> memref<1x!tpu.dma_semaphore, #tpu.memory_space<semaphore_mem>>
    %dma_start3A_53 = tpu.memref_squeeze %dma_start3A_52 : memref<1x!tpu.dma_semaphore, #tpu.memory_space<semaphore_mem>> -> memref<!tpu.dma_semaphore, #tpu.memory_space<semaphore_mem>>
    tpu.enqueue_indirect_dma source(%dma_start3A_51 : memref<1024x32xf32, #tpu.memory_space<hbm>>) target(%dma_start3A_46 : memref<512x32xf32, #tpu.memory_space<vmem>>) offsets(%dma_start3A_48 : memref<512xi32, #tpu.memory_space<vmem>>) semaphore(%dma_start3A_53 : memref<!tpu.dma_semaphore, #tpu.memory_space<semaphore_mem>>)
    %dma_wait3A = arith.constant 0 : i32
    %dma_wait3A_54 = arith.constant 0 : i32
    %dma_wait3A_55 = arith.constant 0 : i32
    %dma_wait3A_56 = arith.constant 0 : i32
    %dma_wait3A_57 = tpu.memref_slice %arg6[%dma_wait3A, %dma_wait3A_55, %dma_wait3A_56] : memref<4x512x32xf32, #tpu.memory_space<vmem>> -> memref<1x512x32xf32, #tpu.memory_space<vmem>>
    %dma_wait3A_58 = tpu.memref_squeeze %dma_wait3A_57 : memref<1x512x32xf32, #tpu.memory_space<vmem>> -> memref<512x32xf32, #tpu.memory_space<vmem>>
    %dma_wait3A_59 = arith.constant 0 : i32
    %dma_wait3A_60 = tpu.memref_slice %arg5[%dma_wait3A_59] : memref<2048xi32, #tpu.memory_space<vmem>> -> memref<512xi32, #tpu.memory_space<vmem>>
    %dma_wait3A_61 = arith.constant 0 : i32
    %dma_wait3A_62 = arith.constant 0 : i32
    %dma_wait3A_63 = tpu.memref_slice %arg2[%dma_wait3A_61, %dma_wait3A_62] : memref<1024x32xf32, #tpu.memory_space<hbm>> -> memref<1024x32xf32, #tpu.memory_space<hbm>>
    %dma_wait3A_64 = tpu.memref_slice %arg7[%dma_wait3A_54] : memref<4x!tpu.dma_semaphore, #tpu.memory_space<semaphore_mem>> -> memref<1x!tpu.dma_semaphore, #tpu.memory_space<semaphore_mem>>
    %dma_wait3A_65 = tpu.memref_squeeze %dma_wait3A_64 : memref<1x!tpu.dma_semaphore, #tpu.memory_space<semaphore_mem>> -> memref<!tpu.dma_semaphore, #tpu.memory_space<semaphore_mem>>
    tpu.wait_indirect_dma semaphore(%dma_wait3A_65 : memref<!tpu.dma_semaphore, #tpu.memory_space<semaphore_mem>>) src(%dma_wait3A_63 : memref<1024x32xf32, #tpu.memory_space<hbm>>) dst(%dma_wait3A_58 : memref<512x32xf32, #tpu.memory_space<vmem>>)
    %add3A_66 = arith.constant 0 : i32
    %add3A_67 = arith.addi %mul3A_2, %add3A_66 : i32
    %dma_start3A_68 = arith.constant 0 : i32
    %dma_start3A_69 = arith.constant 0 : i32
    %dma_start3A_70 = arith.constant 0 : i32
    %dma_start3A_71 = arith.constant 0 : i32
    %dma_start3A_72 = tpu.memref_slice %arg6[%dma_start3A_68, %dma_start3A_70, %dma_start3A_71] : memref<4x512x32xf32, #tpu.memory_space<vmem>> -> memref<1x512x32xf32, #tpu.memory_space<vmem>>
    %dma_start3A_73 = tpu.memref_squeeze %dma_start3A_72 : memref<1x512x32xf32, #tpu.memory_space<vmem>> -> memref<512x32xf32, #tpu.memory_space<vmem>>
    %dma_start3A_74 = arith.constant 0 : i32
    %dma_start3A_75 = tpu.memref_slice %arg4[%add3A_67, %dma_start3A_74] : memref<65536x32xf32, #tpu.memory_space<hbm>> -> memref<512x32xf32, #tpu.memory_space<hbm>>
    %dma_start3A_76 = tpu.memref_slice %arg8[%dma_start3A_69] : memref<4x!tpu.dma_semaphore, #tpu.memory_space<semaphore_mem>> -> memref<1x!tpu.dma_semaphore, #tpu.memory_space<semaphore_mem>>
    %dma_start3A_77 = tpu.memref_squeeze %dma_start3A_76 : memref<1x!tpu.dma_semaphore, #tpu.memory_space<semaphore_mem>> -> memref<!tpu.dma_semaphore, #tpu.memory_space<semaphore_mem>>
    %dma_start3A_78 = arith.constant 0 : i32
    %dma_start3A_79 = tpu.memref_slice %arg4[%add3A_67, %dma_start3A_78] : memref<65536x32xf32, #tpu.memory_space<hbm>> -> memref<512x32xf32, #tpu.memory_space<hbm>>
    %dma_start3A_80 = arith.constant 0 : i32
    %dma_start3A_81 = arith.constant 0 : i32
    %dma_start3A_82 = tpu.memref_slice %arg6[%dma_start3A_68, %dma_start3A_80, %dma_start3A_81] : memref<4x512x32xf32, #tpu.memory_space<vmem>> -> memref<1x512x32xf32, #tpu.memory_space<vmem>>
    %dma_start3A_83 = tpu.memref_squeeze %dma_start3A_82 : memref<1x512x32xf32, #tpu.memory_space<vmem>> -> memref<512x32xf32, #tpu.memory_space<vmem>>
    tpu.enqueue_dma source(%dma_start3A_83 : memref<512x32xf32, #tpu.memory_space<vmem>>) target(%dma_start3A_79 : memref<512x32xf32, #tpu.memory_space<hbm>>) target_semaphore(%dma_start3A_77 : memref<!tpu.dma_semaphore, #tpu.memory_space<semaphore_mem>>)
    %dma_wait3A_84 = arith.constant 1 : i32
    %dma_wait3A_85 = arith.constant 1 : i32
    %dma_wait3A_86 = arith.constant 0 : i32
    %dma_wait3A_87 = arith.constant 0 : i32
    %dma_wait3A_88 = tpu.memref_slice %arg6[%dma_wait3A_84, %dma_wait3A_86, %dma_wait3A_87] : memref<4x512x32xf32, #tpu.memory_space<vmem>> -> memref<1x512x32xf32, #tpu.memory_space<vmem>>
    %dma_wait3A_89 = tpu.memref_squeeze %dma_wait3A_88 : memref<1x512x32xf32, #tpu.memory_space<vmem>> -> memref<512x32xf32, #tpu.memory_space<vmem>>
    %dma_wait3A_90 = arith.constant 512 : i32
    %dma_wait3A_91 = tpu.memref_slice %arg5[%dma_wait3A_90] : memref<2048xi32, #tpu.memory_space<vmem>> -> memref<512xi32, #tpu.memory_space<vmem>>
    %dma_wait3A_92 = arith.constant 0 : i32
    %dma_wait3A_93 = arith.constant 0 : i32
    %dma_wait3A_94 = tpu.memref_slice %arg2[%dma_wait3A_92, %dma_wait3A_93] : memref<1024x32xf32, #tpu.memory_space<hbm>> -> memref<1024x32xf32, #tpu.memory_space<hbm>>
    %dma_wait3A_95 = tpu.memref_slice %arg7[%dma_wait3A_85] : memref<4x!tpu.dma_semaphore, #tpu.memory_space<semaphore_mem>> -> memref<1x!tpu.dma_semaphore, #tpu.memory_space<semaphore_mem>>
    %dma_wait3A_96 = tpu.memref_squeeze %dma_wait3A_95 : memref<1x!tpu.dma_semaphore, #tpu.memory_space<semaphore_mem>> -> memref<!tpu.dma_semaphore, #tpu.memory_space<semaphore_mem>>
    tpu.wait_indirect_dma semaphore(%dma_wait3A_96 : memref<!tpu.dma_semaphore, #tpu.memory_space<semaphore_mem>>) src(%dma_wait3A_94 : memref<1024x32xf32, #tpu.memory_space<hbm>>) dst(%dma_wait3A_89 : memref<512x32xf32, #tpu.memory_space<vmem>>)
    %add3A_97 = arith.constant 512 : i32
    %add3A_98 = arith.addi %mul3A_2, %add3A_97 : i32
    %dma_start3A_99 = arith.constant 1 : i32
    %dma_start3A_100 = arith.constant 1 : i32
    %dma_start3A_101 = arith.constant 0 : i32
    %dma_start3A_102 = arith.constant 0 : i32
    %dma_start3A_103 = tpu.memref_slice %arg6[%dma_start3A_99, %dma_start3A_101, %dma_start3A_102] : memref<4x512x32xf32, #tpu.memory_space<vmem>> -> memref<1x512x32xf32, #tpu.memory_space<vmem>>
    %dma_start3A_104 = tpu.memref_squeeze %dma_start3A_103 : memref<1x512x32xf32, #tpu.memory_space<vmem>> -> memref<512x32xf32, #tpu.memory_space<vmem>>
    %dma_start3A_105 = arith.constant 0 : i32
    %dma_start3A_106 = tpu.memref_slice %arg4[%add3A_98, %dma_start3A_105] : memref<65536x32xf32, #tpu.memory_space<hbm>> -> memref<512x32xf32, #tpu.memory_space<hbm>>
    %dma_start3A_107 = tpu.memref_slice %arg8[%dma_start3A_100] : memref<4x!tpu.dma_semaphore, #tpu.memory_space<semaphore_mem>> -> memref<1x!tpu.dma_semaphore, #tpu.memory_space<semaphore_mem>>
    %dma_start3A_108 = tpu.memref_squeeze %dma_start3A_107 : memref<1x!tpu.dma_semaphore, #tpu.memory_space<semaphore_mem>> -> memref<!tpu.dma_semaphore, #tpu.memory_space<semaphore_mem>>
    %dma_start3A_109 = arith.constant 0 : i32
    %dma_start3A_110 = tpu.memref_slice %arg4[%add3A_98, %dma_start3A_109] : memref<65536x32xf32, #tpu.memory_space<hbm>> -> memref<512x32xf32, #tpu.memory_space<hbm>>
    %dma_start3A_111 = arith.constant 0 : i32
    %dma_start3A_112 = arith.constant 0 : i32
    %dma_start3A_113 = tpu.memref_slice %arg6[%dma_start3A_99, %dma_start3A_111, %dma_start3A_112] : memref<4x512x32xf32, #tpu.memory_space<vmem>> -> memref<1x512x32xf32, #tpu.memory_space<vmem>>
    %dma_start3A_114 = tpu.memref_squeeze %dma_start3A_113 : memref<1x512x32xf32, #tpu.memory_space<vmem>> -> memref<512x32xf32, #tpu.memory_space<vmem>>
    tpu.enqueue_dma source(%dma_start3A_114 : memref<512x32xf32, #tpu.memory_space<vmem>>) target(%dma_start3A_110 : memref<512x32xf32, #tpu.memory_space<hbm>>) target_semaphore(%dma_start3A_108 : memref<!tpu.dma_semaphore, #tpu.memory_space<semaphore_mem>>)
    %dma_wait3A_115 = arith.constant 2 : i32
    %dma_wait3A_116 = arith.constant 2 : i32
    %dma_wait3A_117 = arith.constant 0 : i32
    %dma_wait3A_118 = arith.constant 0 : i32
    %dma_wait3A_119 = tpu.memref_slice %arg6[%dma_wait3A_115, %dma_wait3A_117, %dma_wait3A_118] : memref<4x512x32xf32, #tpu.memory_space<vmem>> -> memref<1x512x32xf32, #tpu.memory_space<vmem>>
    %dma_wait3A_120 = tpu.memref_squeeze %dma_wait3A_119 : memref<1x512x32xf32, #tpu.memory_space<vmem>> -> memref<512x32xf32, #tpu.memory_space<vmem>>
    %dma_wait3A_121 = arith.constant 1024 : i32
    %dma_wait3A_122 = tpu.memref_slice %arg5[%dma_wait3A_121] : memref<2048xi32, #tpu.memory_space<vmem>> -> memref<512xi32, #tpu.memory_space<vmem>>
    %dma_wait3A_123 = arith.constant 0 : i32
    %dma_wait3A_124 = arith.constant 0 : i32
    %dma_wait3A_125 = tpu.memref_slice %arg2[%dma_wait3A_123, %dma_wait3A_124] : memref<1024x32xf32, #tpu.memory_space<hbm>> -> memref<1024x32xf32, #tpu.memory_space<hbm>>
    %dma_wait3A_126 = tpu.memref_slice %arg7[%dma_wait3A_116] : memref<4x!tpu.dma_semaphore, #tpu.memory_space<semaphore_mem>> -> memref<1x!tpu.dma_semaphore, #tpu.memory_space<semaphore_mem>>
    %dma_wait3A_127 = tpu.memref_squeeze %dma_wait3A_126 : memref<1x!tpu.dma_semaphore, #tpu.memory_space<semaphore_mem>> -> memref<!tpu.dma_semaphore, #tpu.memory_space<semaphore_mem>>
    tpu.wait_indirect_dma semaphore(%dma_wait3A_127 : memref<!tpu.dma_semaphore, #tpu.memory_space<semaphore_mem>>) src(%dma_wait3A_125 : memref<1024x32xf32, #tpu.memory_space<hbm>>) dst(%dma_wait3A_120 : memref<512x32xf32, #tpu.memory_space<vmem>>)
    %add3A_128 = arith.constant 1024 : i32
    %add3A_129 = arith.addi %mul3A_2, %add3A_128 : i32
    %dma_start3A_130 = arith.constant 2 : i32
    %dma_start3A_131 = arith.constant 2 : i32
    %dma_start3A_132 = arith.constant 0 : i32
    %dma_start3A_133 = arith.constant 0 : i32
    %dma_start3A_134 = tpu.memref_slice %arg6[%dma_start3A_130, %dma_start3A_132, %dma_start3A_133] : memref<4x512x32xf32, #tpu.memory_space<vmem>> -> memref<1x512x32xf32, #tpu.memory_space<vmem>>
    %dma_start3A_135 = tpu.memref_squeeze %dma_start3A_134 : memref<1x512x32xf32, #tpu.memory_space<vmem>> -> memref<512x32xf32, #tpu.memory_space<vmem>>
    %dma_start3A_136 = arith.constant 0 : i32
    %dma_start3A_137 = tpu.memref_slice %arg4[%add3A_129, %dma_start3A_136] : memref<65536x32xf32, #tpu.memory_space<hbm>> -> memref<512x32xf32, #tpu.memory_space<hbm>>
    %dma_start3A_138 = tpu.memref_slice %arg8[%dma_start3A_131] : memref<4x!tpu.dma_semaphore, #tpu.memory_space<semaphore_mem>> -> memref<1x!tpu.dma_semaphore, #tpu.memory_space<semaphore_mem>>
    %dma_start3A_139 = tpu.memref_squeeze %dma_start3A_138 : memref<1x!tpu.dma_semaphore, #tpu.memory_space<semaphore_mem>> -> memref<!tpu.dma_semaphore, #tpu.memory_space<semaphore_mem>>
    %dma_start3A_140 = arith.constant 0 : i32
    %dma_start3A_141 = tpu.memref_slice %arg4[%add3A_129, %dma_start3A_140] : memref<65536x32xf32, #tpu.memory_space<hbm>> -> memref<512x32xf32, #tpu.memory_space<hbm>>
    %dma_start3A_142 = arith.constant 0 : i32
    %dma_start3A_143 = arith.constant 0 : i32
    %dma_start3A_144 = tpu.memref_slice %arg6[%dma_start3A_130, %dma_start3A_142, %dma_start3A_143] : memref<4x512x32xf32, #tpu.memory_space<vmem>> -> memref<1x512x32xf32, #tpu.memory_space<vmem>>
    %dma_start3A_145 = tpu.memref_squeeze %dma_start3A_144 : memref<1x512x32xf32, #tpu.memory_space<vmem>> -> memref<512x32xf32, #tpu.memory_space<vmem>>
    tpu.enqueue_dma source(%dma_start3A_145 : memref<512x32xf32, #tpu.memory_space<vmem>>) target(%dma_start3A_141 : memref<512x32xf32, #tpu.memory_space<hbm>>) target_semaphore(%dma_start3A_139 : memref<!tpu.dma_semaphore, #tpu.memory_space<semaphore_mem>>)
    %dma_wait3A_146 = arith.constant 3 : i32
    %dma_wait3A_147 = arith.constant 3 : i32
    %dma_wait3A_148 = arith.constant 0 : i32
    %dma_wait3A_149 = arith.constant 0 : i32
    %dma_wait3A_150 = tpu.memref_slice %arg6[%dma_wait3A_146, %dma_wait3A_148, %dma_wait3A_149] : memref<4x512x32xf32, #tpu.memory_space<vmem>> -> memref<1x512x32xf32, #tpu.memory_space<vmem>>
    %dma_wait3A_151 = tpu.memref_squeeze %dma_wait3A_150 : memref<1x512x32xf32, #tpu.memory_space<vmem>> -> memref<512x32xf32, #tpu.memory_space<vmem>>
    %dma_wait3A_152 = arith.constant 1536 : i32
    %dma_wait3A_153 = tpu.memref_slice %arg5[%dma_wait3A_152] : memref<2048xi32, #tpu.memory_space<vmem>> -> memref<512xi32, #tpu.memory_space<vmem>>
    %dma_wait3A_154 = arith.constant 0 : i32
    %dma_wait3A_155 = arith.constant 0 : i32
    %dma_wait3A_156 = tpu.memref_slice %arg2[%dma_wait3A_154, %dma_wait3A_155] : memref<1024x32xf32, #tpu.memory_space<hbm>> -> memref<1024x32xf32, #tpu.memory_space<hbm>>
    %dma_wait3A_157 = tpu.memref_slice %arg7[%dma_wait3A_147] : memref<4x!tpu.dma_semaphore, #tpu.memory_space<semaphore_mem>> -> memref<1x!tpu.dma_semaphore, #tpu.memory_space<semaphore_mem>>
    %dma_wait3A_158 = tpu.memref_squeeze %dma_wait3A_157 : memref<1x!tpu.dma_semaphore, #tpu.memory_space<semaphore_mem>> -> memref<!tpu.dma_semaphore, #tpu.memory_space<semaphore_mem>>
    tpu.wait_indirect_dma semaphore(%dma_wait3A_158 : memref<!tpu.dma_semaphore, #tpu.memory_space<semaphore_mem>>) src(%dma_wait3A_156 : memref<1024x32xf32, #tpu.memory_space<hbm>>) dst(%dma_wait3A_151 : memref<512x32xf32, #tpu.memory_space<vmem>>)
    %add3A_159 = arith.constant 1536 : i32
    %add3A_160 = arith.addi %mul3A_2, %add3A_159 : i32
    %dma_start3A_161 = arith.constant 3 : i32
    %dma_start3A_162 = arith.constant 3 : i32
    %dma_start3A_163 = arith.constant 0 : i32
    %dma_start3A_164 = arith.constant 0 : i32
    %dma_start3A_165 = tpu.memref_slice %arg6[%dma_start3A_161, %dma_start3A_163, %dma_start3A_164] : memref<4x512x32xf32, #tpu.memory_space<vmem>> -> memref<1x512x32xf32, #tpu.memory_space<vmem>>
    %dma_start3A_166 = tpu.memref_squeeze %dma_start3A_165 : memref<1x512x32xf32, #tpu.memory_space<vmem>> -> memref<512x32xf32, #tpu.memory_space<vmem>>
    %dma_start3A_167 = arith.constant 0 : i32
    %dma_start3A_168 = tpu.memref_slice %arg4[%add3A_160, %dma_start3A_167] : memref<65536x32xf32, #tpu.memory_space<hbm>> -> memref<512x32xf32, #tpu.memory_space<hbm>>
    %dma_start3A_169 = tpu.memref_slice %arg8[%dma_start3A_162] : memref<4x!tpu.dma_semaphore, #tpu.memory_space<semaphore_mem>> -> memref<1x!tpu.dma_semaphore, #tpu.memory_space<semaphore_mem>>
    %dma_start3A_170 = tpu.memref_squeeze %dma_start3A_169 : memref<1x!tpu.dma_semaphore, #tpu.memory_space<semaphore_mem>> -> memref<!tpu.dma_semaphore, #tpu.memory_space<semaphore_mem>>
    %dma_start3A_171 = arith.constant 0 : i32
    %dma_start3A_172 = tpu.memref_slice %arg4[%add3A_160, %dma_start3A_171] : memref<65536x32xf32, #tpu.memory_space<hbm>> -> memref<512x32xf32, #tpu.memory_space<hbm>>
    %dma_start3A_173 = arith.constant 0 : i32
    %dma_start3A_174 = arith.constant 0 : i32
    %dma_start3A_175 = tpu.memref_slice %arg6[%dma_start3A_161, %dma_start3A_173, %dma_start3A_174] : memref<4x512x32xf32, #tpu.memory_space<vmem>> -> memref<1x512x32xf32, #tpu.memory_space<vmem>>
    %dma_start3A_176 = tpu.memref_squeeze %dma_start3A_175 : memref<1x512x32xf32, #tpu.memory_space<vmem>> -> memref<512x32xf32, #tpu.memory_space<vmem>>
    tpu.enqueue_dma source(%dma_start3A_176 : memref<512x32xf32, #tpu.memory_space<vmem>>) target(%dma_start3A_172 : memref<512x32xf32, #tpu.memory_space<hbm>>) target_semaphore(%dma_start3A_170 : memref<!tpu.dma_semaphore, #tpu.memory_space<semaphore_mem>>)
    %dma_wait3A_177 = arith.constant 0 : i32
    %dma_wait3A_178 = arith.constant 0 : i32
    %dma_wait3A_179 = arith.constant 0 : i32
    %dma_wait3A_180 = arith.constant 0 : i32
    %dma_wait3A_181 = tpu.memref_slice %arg6[%dma_wait3A_177, %dma_wait3A_179, %dma_wait3A_180] : memref<4x512x32xf32, #tpu.memory_space<vmem>> -> memref<1x512x32xf32, #tpu.memory_space<vmem>>
    %dma_wait3A_182 = tpu.memref_squeeze %dma_wait3A_181 : memref<1x512x32xf32, #tpu.memory_space<vmem>> -> memref<512x32xf32, #tpu.memory_space<vmem>>
    %dma_wait3A_183 = arith.constant 0 : i32
    %dma_wait3A_184 = tpu.memref_slice %arg4[%add3A_67, %dma_wait3A_183] : memref<65536x32xf32, #tpu.memory_space<hbm>> -> memref<512x32xf32, #tpu.memory_space<hbm>>
    %dma_wait3A_185 = tpu.memref_slice %arg8[%dma_wait3A_178] : memref<4x!tpu.dma_semaphore, #tpu.memory_space<semaphore_mem>> -> memref<1x!tpu.dma_semaphore, #tpu.memory_space<semaphore_mem>>
    %dma_wait3A_186 = tpu.memref_squeeze %dma_wait3A_185 : memref<1x!tpu.dma_semaphore, #tpu.memory_space<semaphore_mem>> -> memref<!tpu.dma_semaphore, #tpu.memory_space<semaphore_mem>>
    %dma_wait3A_187 = arith.constant 0 : i32
    %dma_wait3A_188 = tpu.memref_slice %arg4[%add3A_67, %dma_wait3A_187] : memref<65536x32xf32, #tpu.memory_space<hbm>> -> memref<512x32xf32, #tpu.memory_space<hbm>>
    %dma_wait3A_189 = arith.constant 0 : i32
    %dma_wait3A_190 = arith.constant 0 : i32
    %dma_wait3A_191 = tpu.memref_slice %arg6[%dma_wait3A_177, %dma_wait3A_189, %dma_wait3A_190] : memref<4x512x32xf32, #tpu.memory_space<vmem>> -> memref<1x512x32xf32, #tpu.memory_space<vmem>>
    %dma_wait3A_192 = tpu.memref_squeeze %dma_wait3A_191 : memref<1x512x32xf32, #tpu.memory_space<vmem>> -> memref<512x32xf32, #tpu.memory_space<vmem>>
    tpu.wait_dma2 semaphore(%dma_wait3A_186 : memref<!tpu.dma_semaphore, #tpu.memory_space<semaphore_mem>>) src(%dma_wait3A_192 : memref<512x32xf32, #tpu.memory_space<vmem>>) dst(%dma_wait3A_188 : memref<512x32xf32, #tpu.memory_space<hbm>>)
    %dma_wait3A_193 = arith.constant 1 : i32
    %dma_wait3A_194 = arith.constant 1 : i32
    %dma_wait3A_195 = arith.constant 0 : i32
    %dma_wait3A_196 = arith.constant 0 : i32
    %dma_wait3A_197 = tpu.memref_slice %arg6[%dma_wait3A_193, %dma_wait3A_195, %dma_wait3A_196] : memref<4x512x32xf32, #tpu.memory_space<vmem>> -> memref<1x512x32xf32, #tpu.memory_space<vmem>>
    %dma_wait3A_198 = tpu.memref_squeeze %dma_wait3A_197 : memref<1x512x32xf32, #tpu.memory_space<vmem>> -> memref<512x32xf32, #tpu.memory_space<vmem>>
    %dma_wait3A_199 = arith.constant 0 : i32
    %dma_wait3A_200 = tpu.memref_slice %arg4[%add3A_98, %dma_wait3A_199] : memref<65536x32xf32, #tpu.memory_space<hbm>> -> memref<512x32xf32, #tpu.memory_space<hbm>>
    %dma_wait3A_201 = tpu.memref_slice %arg8[%dma_wait3A_194] : memref<4x!tpu.dma_semaphore, #tpu.memory_space<semaphore_mem>> -> memref<1x!tpu.dma_semaphore, #tpu.memory_space<semaphore_mem>>
    %dma_wait3A_202 = tpu.memref_squeeze %dma_wait3A_201 : memref<1x!tpu.dma_semaphore, #tpu.memory_space<semaphore_mem>> -> memref<!tpu.dma_semaphore, #tpu.memory_space<semaphore_mem>>
    %dma_wait3A_203 = arith.constant 0 : i32
    %dma_wait3A_204 = tpu.memref_slice %arg4[%add3A_98, %dma_wait3A_203] : memref<65536x32xf32, #tpu.memory_space<hbm>> -> memref<512x32xf32, #tpu.memory_space<hbm>>
    %dma_wait3A_205 = arith.constant 0 : i32
    %dma_wait3A_206 = arith.constant 0 : i32
    %dma_wait3A_207 = tpu.memref_slice %arg6[%dma_wait3A_193, %dma_wait3A_205, %dma_wait3A_206] : memref<4x512x32xf32, #tpu.memory_space<vmem>> -> memref<1x512x32xf32, #tpu.memory_space<vmem>>
    %dma_wait3A_208 = tpu.memref_squeeze %dma_wait3A_207 : memref<1x512x32xf32, #tpu.memory_space<vmem>> -> memref<512x32xf32, #tpu.memory_space<vmem>>
    tpu.wait_dma2 semaphore(%dma_wait3A_202 : memref<!tpu.dma_semaphore, #tpu.memory_space<semaphore_mem>>) src(%dma_wait3A_208 : memref<512x32xf32, #tpu.memory_space<vmem>>) dst(%dma_wait3A_204 : memref<512x32xf32, #tpu.memory_space<hbm>>)
    %dma_wait3A_209 = arith.constant 2 : i32
    %dma_wait3A_210 = arith.constant 2 : i32
    %dma_wait3A_211 = arith.constant 0 : i32
    %dma_wait3A_212 = arith.constant 0 : i32
    %dma_wait3A_213 = tpu.memref_slice %arg6[%dma_wait3A_209, %dma_wait3A_211, %dma_wait3A_212] : memref<4x512x32xf32, #tpu.memory_space<vmem>> -> memref<1x512x32xf32, #tpu.memory_space<vmem>>
    %dma_wait3A_214 = tpu.memref_squeeze %dma_wait3A_213 : memref<1x512x32xf32, #tpu.memory_space<vmem>> -> memref<512x32xf32, #tpu.memory_space<vmem>>
    %dma_wait3A_215 = arith.constant 0 : i32
    %dma_wait3A_216 = tpu.memref_slice %arg4[%add3A_129, %dma_wait3A_215] : memref<65536x32xf32, #tpu.memory_space<hbm>> -> memref<512x32xf32, #tpu.memory_space<hbm>>
    %dma_wait3A_217 = tpu.memref_slice %arg8[%dma_wait3A_210] : memref<4x!tpu.dma_semaphore, #tpu.memory_space<semaphore_mem>> -> memref<1x!tpu.dma_semaphore, #tpu.memory_space<semaphore_mem>>
    %dma_wait3A_218 = tpu.memref_squeeze %dma_wait3A_217 : memref<1x!tpu.dma_semaphore, #tpu.memory_space<semaphore_mem>> -> memref<!tpu.dma_semaphore, #tpu.memory_space<semaphore_mem>>
    %dma_wait3A_219 = arith.constant 0 : i32
    %dma_wait3A_220 = tpu.memref_slice %arg4[%add3A_129, %dma_wait3A_219] : memref<65536x32xf32, #tpu.memory_space<hbm>> -> memref<512x32xf32, #tpu.memory_space<hbm>>
    %dma_wait3A_221 = arith.constant 0 : i32
    %dma_wait3A_222 = arith.constant 0 : i32
    %dma_wait3A_223 = tpu.memref_slice %arg6[%dma_wait3A_209, %dma_wait3A_221, %dma_wait3A_222] : memref<4x512x32xf32, #tpu.memory_space<vmem>> -> memref<1x512x32xf32, #tpu.memory_space<vmem>>
    %dma_wait3A_224 = tpu.memref_squeeze %dma_wait3A_223 : memref<1x512x32xf32, #tpu.memory_space<vmem>> -> memref<512x32xf32, #tpu.memory_space<vmem>>
    tpu.wait_dma2 semaphore(%dma_wait3A_218 : memref<!tpu.dma_semaphore, #tpu.memory_space<semaphore_mem>>) src(%dma_wait3A_224 : memref<512x32xf32, #tpu.memory_space<vmem>>) dst(%dma_wait3A_220 : memref<512x32xf32, #tpu.memory_space<hbm>>)
    %dma_wait3A_225 = arith.constant 3 : i32
    %dma_wait3A_226 = arith.constant 3 : i32
    %dma_wait3A_227 = arith.constant 0 : i32
    %dma_wait3A_228 = arith.constant 0 : i32
    %dma_wait3A_229 = tpu.memref_slice %arg6[%dma_wait3A_225, %dma_wait3A_227, %dma_wait3A_228] : memref<4x512x32xf32, #tpu.memory_space<vmem>> -> memref<1x512x32xf32, #tpu.memory_space<vmem>>
    %dma_wait3A_230 = tpu.memref_squeeze %dma_wait3A_229 : memref<1x512x32xf32, #tpu.memory_space<vmem>> -> memref<512x32xf32, #tpu.memory_space<vmem>>
    %dma_wait3A_231 = arith.constant 0 : i32
    %dma_wait3A_232 = tpu.memref_slice %arg4[%add3A_160, %dma_wait3A_231] : memref<65536x32xf32, #tpu.memory_space<hbm>> -> memref<512x32xf32, #tpu.memory_space<hbm>>
    %dma_wait3A_233 = tpu.memref_slice %arg8[%dma_wait3A_226] : memref<4x!tpu.dma_semaphore, #tpu.memory_space<semaphore_mem>> -> memref<1x!tpu.dma_semaphore, #tpu.memory_space<semaphore_mem>>
    %dma_wait3A_234 = tpu.memref_squeeze %dma_wait3A_233 : memref<1x!tpu.dma_semaphore, #tpu.memory_space<semaphore_mem>> -> memref<!tpu.dma_semaphore, #tpu.memory_space<semaphore_mem>>
    %dma_wait3A_235 = arith.constant 0 : i32
    %dma_wait3A_236 = tpu.memref_slice %arg4[%add3A_160, %dma_wait3A_235] : memref<65536x32xf32, #tpu.memory_space<hbm>> -> memref<512x32xf32, #tpu.memory_space<hbm>>
    %dma_wait3A_237 = arith.constant 0 : i32
    %dma_wait3A_238 = arith.constant 0 : i32
    %dma_wait3A_239 = tpu.memref_slice %arg6[%dma_wait3A_225, %dma_wait3A_237, %dma_wait3A_238] : memref<4x512x32xf32, #tpu.memory_space<vmem>> -> memref<1x512x32xf32, #tpu.memory_space<vmem>>
    %dma_wait3A_240 = tpu.memref_squeeze %dma_wait3A_239 : memref<1x512x32xf32, #tpu.memory_space<vmem>> -> memref<512x32xf32, #tpu.memory_space<vmem>>
    tpu.wait_dma2 semaphore(%dma_wait3A_234 : memref<!tpu.dma_semaphore, #tpu.memory_space<semaphore_mem>>) src(%dma_wait3A_240 : memref<512x32xf32, #tpu.memory_space<vmem>>) dst(%dma_wait3A_236 : memref<512x32xf32, #tpu.memory_space<hbm>>)
    return
  }
}

module attributes {stable_mosaic.version = 14 : i64} {
  func.func @_dist_body(%arg0: i32, %arg1: memref<2048x32xf32, #tpu.memory_space<vmem>>, %arg2: memref<1024x32xf32, #tpu.memory_space<vmem>>, %arg3: memref<2048x1024xf32, #tpu.memory_space<vmem>>, %arg4: memref<16x128xi32, #tpu.memory_space<vmem>>) attributes {dimension_semantics = [#tpu.dimension_semantics<arbitrary>], iteration_bounds = array<i64: 32>, scalar_prefetch = 0 : i64, scratch_operands = 0 : i64, tpu.core_type = #tpu.core_type<tc>, window_params = [{transform_indices = @transform_0, window_bounds = array<i64: 2048, 32>}, {pipeline_mode = #tpu.pipeline_mode<synchronous>, transform_indices = @transform_1, window_bounds = array<i64: 1024, 32>}, {transform_indices = @transform_2, window_bounds = array<i64: 2048, 1024>}, {transform_indices = @transform_3, window_bounds = array<i64: 16, 128>}]} {
    %get3A = arith.constant 0 : index
    %get3A_0 = arith.constant 0 : index
    %get3A_1 = vector.load %arg2[%get3A, %get3A_0] : memref<1024x32xf32, #tpu.memory_space<vmem>>, vector<1024x32xf32>
    %mul3A = arith.mulf %get3A_1, %get3A_1 : vector<1024x32xf32>
    %reduce_sum3A = arith.constant dense<0.000000e+00> : vector<1024xf32>
    %reduce_sum3A_2 = vector.multi_reduction <add>, %mul3A, %reduce_sum3A [1] : vector<1024x32xf32> to vector<1024xf32>
    %broadcast_in_dim3A = vector.shape_cast %reduce_sum3A_2 : vector<1024xf32> to vector<1x1024xf32>
    %get3A_3 = arith.constant 0 : index
    %get3A_4 = arith.constant 0 : index
    %get3A_5 = vector.load %arg1[%get3A_3, %get3A_4] : memref<2048x32xf32, #tpu.memory_space<vmem>>, vector<512x32xf32>
    %mul3A_6 = arith.mulf %get3A_5, %get3A_5 : vector<512x32xf32>
    %reduce_sum3A_7 = arith.constant dense<0.000000e+00> : vector<512xf32>
    %reduce_sum3A_8 = vector.multi_reduction <add>, %mul3A_6, %reduce_sum3A_7 [1] : vector<512x32xf32> to vector<512xf32>
    %broadcast_in_dim3A_9 = vector.shape_cast %reduce_sum3A_8 : vector<512xf32> to vector<512x1xf32>
    %broadcast_in_dim3A_10 = arith.constant 0x7F800000 : f32
    %broadcast_in_dim3A_11 = vector.broadcast %broadcast_in_dim3A_10 : f32 to vector<512x128xf32>
    %broadcast_in_dim3A_12 = arith.constant 0 : i32
    %broadcast_in_dim3A_13 = vector.broadcast %broadcast_in_dim3A_12 : i32 to vector<512x128xi32>
    %iota3A = tpu.iota {dimensions = array<i32: 1>} : vector<512x128xi32>
    %slice3A = vector.extract_strided_slice %get3A_1 {offsets = [0, 0], sizes = [128, 32], strides = [1, 1]} : vector<1024x32xf32> to vector<128x32xf32>
    %dot_general3A = arith.constant dense<0.000000e+00> : vector<512x128xf32>
    %dot_general3A_14 = tpu.matmul %get3A_5, %slice3A, %dot_general3A {dimension_numbers = #tpu.dot_dimension_numbers<[1], [1], [0], [0], [0, 0, 1, 0], [], []>, transpose_lhs_hint = false} : vector<512x32xf32>, vector<128x32xf32>, vector<512x128xf32> -> vector<512x128xf32>
    %slice3A_15 = vector.extract_strided_slice %broadcast_in_dim3A {offsets = [0, 0], sizes = [1, 128], strides = [1, 1]} : vector<1x1024xf32> to vector<1x128xf32>
    %add3A = vector.broadcast %broadcast_in_dim3A_9 : vector<512x1xf32> to vector<512x128xf32>
    %add3A_16 = vector.broadcast %slice3A_15 : vector<1x128xf32> to vector<512x128xf32>
    %add3A_17 = arith.addf %add3A, %add3A_16 : vector<512x128xf32>
    %mul3A_18 = arith.constant 2.000000e+00 : f32
    %mul3A_19 = vector.broadcast %mul3A_18 : f32 to vector<512x128xf32>
    %mul3A_20 = arith.mulf %mul3A_19, %dot_general3A_14 : vector<512x128xf32>
    %sub3A = arith.subf %add3A_17, %mul3A_20 : vector<512x128xf32>
    %swap3A = arith.constant 0 : index
    %swap3A_21 = arith.constant 0 : index
    %swap3A_22 = vector.load %arg3[%swap3A, %swap3A_21] : memref<2048x1024xf32, #tpu.memory_space<vmem>>, vector<512x128xf32>
    tpu.vector_store %arg3[%swap3A, %swap3A_21], %sub3A {strides = array<i32>} : memref<2048x1024xf32, #tpu.memory_space<vmem>>, vector<512x128xf32>,
    %lt3A = arith.cmpf olt, %sub3A, %broadcast_in_dim3A_11 : vector<512x128xf32>
    %add3A_23 = arith.constant 0 : i32
    %add3A_24 = vector.broadcast %add3A_23 : i32 to vector<512x128xi32>
    %add3A_25 = arith.addi %iota3A, %add3A_24 : vector<512x128xi32>
    %select_n3A = arith.select %lt3A, %add3A_25, %broadcast_in_dim3A_13 : vector<512x128xi1>, vector<512x128xi32>
    %select_n3A_26 = arith.select %lt3A, %sub3A, %broadcast_in_dim3A_11 : vector<512x128xi1>, vector<512x128xf32>
    %slice3A_27 = vector.extract_strided_slice %get3A_1 {offsets = [128, 0], sizes = [128, 32], strides = [1, 1]} : vector<1024x32xf32> to vector<128x32xf32>
    %dot_general3A_28 = arith.constant dense<0.000000e+00> : vector<512x128xf32>
    %dot_general3A_29 = tpu.matmul %get3A_5, %slice3A_27, %dot_general3A_28 {dimension_numbers = #tpu.dot_dimension_numbers<[1], [1], [0], [0], [0, 0, 1, 0], [], []>, transpose_lhs_hint = false} : vector<512x32xf32>, vector<128x32xf32>, vector<512x128xf32> -> vector<512x128xf32>
    %slice3A_30 = vector.extract_strided_slice %broadcast_in_dim3A {offsets = [0, 128], sizes = [1, 128], strides = [1, 1]} : vector<1x1024xf32> to vector<1x128xf32>
    %add3A_31 = vector.broadcast %broadcast_in_dim3A_9 : vector<512x1xf32> to vector<512x128xf32>
    %add3A_32 = vector.broadcast %slice3A_30 : vector<1x128xf32> to vector<512x128xf32>
    %add3A_33 = arith.addf %add3A_31, %add3A_32 : vector<512x128xf32>
    %mul3A_34 = arith.constant 2.000000e+00 : f32
    %mul3A_35 = vector.broadcast %mul3A_34 : f32 to vector<512x128xf32>
    %mul3A_36 = arith.mulf %mul3A_35, %dot_general3A_29 : vector<512x128xf32>
    %sub3A_37 = arith.subf %add3A_33, %mul3A_36 : vector<512x128xf32>
    %swap3A_38 = arith.constant 0 : index
    %swap3A_39 = arith.constant 128 : index
    %swap3A_40 = vector.load %arg3[%swap3A_38, %swap3A_39] : memref<2048x1024xf32, #tpu.memory_space<vmem>>, vector<512x128xf32>
    tpu.vector_store %arg3[%swap3A_38, %swap3A_39], %sub3A_37 {strides = array<i32>} : memref<2048x1024xf32, #tpu.memory_space<vmem>>, vector<512x128xf32>,
    %lt3A_41 = arith.cmpf olt, %sub3A_37, %select_n3A_26 : vector<512x128xf32>
    %add3A_42 = arith.constant 128 : i32
    %add3A_43 = vector.broadcast %add3A_42 : i32 to vector<512x128xi32>
    %add3A_44 = arith.addi %iota3A, %add3A_43 : vector<512x128xi32>
    %select_n3A_45 = arith.select %lt3A_41, %add3A_44, %select_n3A : vector<512x128xi1>, vector<512x128xi32>
    %select_n3A_46 = arith.select %lt3A_41, %sub3A_37, %select_n3A_26 : vector<512x128xi1>, vector<512x128xf32>
    %slice3A_47 = vector.extract_strided_slice %get3A_1 {offsets = [256, 0], sizes = [128, 32], strides = [1, 1]} : vector<1024x32xf32> to vector<128x32xf32>
    %dot_general3A_48 = arith.constant dense<0.000000e+00> : vector<512x128xf32>
    %dot_general3A_49 = tpu.matmul %get3A_5, %slice3A_47, %dot_general3A_48 {dimension_numbers = #tpu.dot_dimension_numbers<[1], [1], [0], [0], [0, 0, 1, 0], [], []>, transpose_lhs_hint = false} : vector<512x32xf32>, vector<128x32xf32>, vector<512x128xf32> -> vector<512x128xf32>
    %slice3A_50 = vector.extract_strided_slice %broadcast_in_dim3A {offsets = [0, 256], sizes = [1, 128], strides = [1, 1]} : vector<1x1024xf32> to vector<1x128xf32>
    %add3A_51 = vector.broadcast %broadcast_in_dim3A_9 : vector<512x1xf32> to vector<512x128xf32>
    %add3A_52 = vector.broadcast %slice3A_50 : vector<1x128xf32> to vector<512x128xf32>
    %add3A_53 = arith.addf %add3A_51, %add3A_52 : vector<512x128xf32>
    %mul3A_54 = arith.constant 2.000000e+00 : f32
    %mul3A_55 = vector.broadcast %mul3A_54 : f32 to vector<512x128xf32>
    %mul3A_56 = arith.mulf %mul3A_55, %dot_general3A_49 : vector<512x128xf32>
    %sub3A_57 = arith.subf %add3A_53, %mul3A_56 : vector<512x128xf32>
    %swap3A_58 = arith.constant 0 : index
    %swap3A_59 = arith.constant 256 : index
    %swap3A_60 = vector.load %arg3[%swap3A_58, %swap3A_59] : memref<2048x1024xf32, #tpu.memory_space<vmem>>, vector<512x128xf32>
    tpu.vector_store %arg3[%swap3A_58, %swap3A_59], %sub3A_57 {strides = array<i32>} : memref<2048x1024xf32, #tpu.memory_space<vmem>>, vector<512x128xf32>,
    %lt3A_61 = arith.cmpf olt, %sub3A_57, %select_n3A_46 : vector<512x128xf32>
    %add3A_62 = arith.constant 256 : i32
    %add3A_63 = vector.broadcast %add3A_62 : i32 to vector<512x128xi32>
    %add3A_64 = arith.addi %iota3A, %add3A_63 : vector<512x128xi32>
    %select_n3A_65 = arith.select %lt3A_61, %add3A_64, %select_n3A_45 : vector<512x128xi1>, vector<512x128xi32>
    %select_n3A_66 = arith.select %lt3A_61, %sub3A_57, %select_n3A_46 : vector<512x128xi1>, vector<512x128xf32>
    %slice3A_67 = vector.extract_strided_slice %get3A_1 {offsets = [384, 0], sizes = [128, 32], strides = [1, 1]} : vector<1024x32xf32> to vector<128x32xf32>
    %dot_general3A_68 = arith.constant dense<0.000000e+00> : vector<512x128xf32>
    %dot_general3A_69 = tpu.matmul %get3A_5, %slice3A_67, %dot_general3A_68 {dimension_numbers = #tpu.dot_dimension_numbers<[1], [1], [0], [0], [0, 0, 1, 0], [], []>, transpose_lhs_hint = false} : vector<512x32xf32>, vector<128x32xf32>, vector<512x128xf32> -> vector<512x128xf32>
    %slice3A_70 = vector.extract_strided_slice %broadcast_in_dim3A {offsets = [0, 384], sizes = [1, 128], strides = [1, 1]} : vector<1x1024xf32> to vector<1x128xf32>
    %add3A_71 = vector.broadcast %broadcast_in_dim3A_9 : vector<512x1xf32> to vector<512x128xf32>
    %add3A_72 = vector.broadcast %slice3A_70 : vector<1x128xf32> to vector<512x128xf32>
    %add3A_73 = arith.addf %add3A_71, %add3A_72 : vector<512x128xf32>
    %mul3A_74 = arith.constant 2.000000e+00 : f32
    %mul3A_75 = vector.broadcast %mul3A_74 : f32 to vector<512x128xf32>
    %mul3A_76 = arith.mulf %mul3A_75, %dot_general3A_69 : vector<512x128xf32>
    %sub3A_77 = arith.subf %add3A_73, %mul3A_76 : vector<512x128xf32>
    %swap3A_78 = arith.constant 0 : index
    %swap3A_79 = arith.constant 384 : index
    %swap3A_80 = vector.load %arg3[%swap3A_78, %swap3A_79] : memref<2048x1024xf32, #tpu.memory_space<vmem>>, vector<512x128xf32>
    tpu.vector_store %arg3[%swap3A_78, %swap3A_79], %sub3A_77 {strides = array<i32>} : memref<2048x1024xf32, #tpu.memory_space<vmem>>, vector<512x128xf32>,
    %lt3A_81 = arith.cmpf olt, %sub3A_77, %select_n3A_66 : vector<512x128xf32>
    %add3A_82 = arith.constant 384 : i32
    %add3A_83 = vector.broadcast %add3A_82 : i32 to vector<512x128xi32>
    %add3A_84 = arith.addi %iota3A, %add3A_83 : vector<512x128xi32>
    %select_n3A_85 = arith.select %lt3A_81, %add3A_84, %select_n3A_65 : vector<512x128xi1>, vector<512x128xi32>
    %select_n3A_86 = arith.select %lt3A_81, %sub3A_77, %select_n3A_66 : vector<512x128xi1>, vector<512x128xf32>
    %slice3A_87 = vector.extract_strided_slice %get3A_1 {offsets = [512, 0], sizes = [128, 32], strides = [1, 1]} : vector<1024x32xf32> to vector<128x32xf32>
    %dot_general3A_88 = arith.constant dense<0.000000e+00> : vector<512x128xf32>
    %dot_general3A_89 = tpu.matmul %get3A_5, %slice3A_87, %dot_general3A_88 {dimension_numbers = #tpu.dot_dimension_numbers<[1], [1], [0], [0], [0, 0, 1, 0], [], []>, transpose_lhs_hint = false} : vector<512x32xf32>, vector<128x32xf32>, vector<512x128xf32> -> vector<512x128xf32>
    %slice3A_90 = vector.extract_strided_slice %broadcast_in_dim3A {offsets = [0, 512], sizes = [1, 128], strides = [1, 1]} : vector<1x1024xf32> to vector<1x128xf32>
    %add3A_91 = vector.broadcast %broadcast_in_dim3A_9 : vector<512x1xf32> to vector<512x128xf32>
    %add3A_92 = vector.broadcast %slice3A_90 : vector<1x128xf32> to vector<512x128xf32>
    %add3A_93 = arith.addf %add3A_91, %add3A_92 : vector<512x128xf32>
    %mul3A_94 = arith.constant 2.000000e+00 : f32
    %mul3A_95 = vector.broadcast %mul3A_94 : f32 to vector<512x128xf32>
    %mul3A_96 = arith.mulf %mul3A_95, %dot_general3A_89 : vector<512x128xf32>
    %sub3A_97 = arith.subf %add3A_93, %mul3A_96 : vector<512x128xf32>
    %swap3A_98 = arith.constant 0 : index
    %swap3A_99 = arith.constant 512 : index
    %swap3A_100 = vector.load %arg3[%swap3A_98, %swap3A_99] : memref<2048x1024xf32, #tpu.memory_space<vmem>>, vector<512x128xf32>
    tpu.vector_store %arg3[%swap3A_98, %swap3A_99], %sub3A_97 {strides = array<i32>} : memref<2048x1024xf32, #tpu.memory_space<vmem>>, vector<512x128xf32>,
    %lt3A_101 = arith.cmpf olt, %sub3A_97, %select_n3A_86 : vector<512x128xf32>
    %add3A_102 = arith.constant 512 : i32
    %add3A_103 = vector.broadcast %add3A_102 : i32 to vector<512x128xi32>
    %add3A_104 = arith.addi %iota3A, %add3A_103 : vector<512x128xi32>
    %select_n3A_105 = arith.select %lt3A_101, %add3A_104, %select_n3A_85 : vector<512x128xi1>, vector<512x128xi32>
    %select_n3A_106 = arith.select %lt3A_101, %sub3A_97, %select_n3A_86 : vector<512x128xi1>, vector<512x128xf32>
    %slice3A_107 = vector.extract_strided_slice %get3A_1 {offsets = [640, 0], sizes = [128, 32], strides = [1, 1]} : vector<1024x32xf32> to vector<128x32xf32>
    %dot_general3A_108 = arith.constant dense<0.000000e+00> : vector<512x128xf32>
    %dot_general3A_109 = tpu.matmul %get3A_5, %slice3A_107, %dot_general3A_108 {dimension_numbers = #tpu.dot_dimension_numbers<[1], [1], [0], [0], [0, 0, 1, 0], [], []>, transpose_lhs_hint = false} : vector<512x32xf32>, vector<128x32xf32>, vector<512x128xf32> -> vector<512x128xf32>
    %slice3A_110 = vector.extract_strided_slice %broadcast_in_dim3A {offsets = [0, 640], sizes = [1, 128], strides = [1, 1]} : vector<1x1024xf32> to vector<1x128xf32>
    %add3A_111 = vector.broadcast %broadcast_in_dim3A_9 : vector<512x1xf32> to vector<512x128xf32>
    %add3A_112 = vector.broadcast %slice3A_110 : vector<1x128xf32> to vector<512x128xf32>
    %add3A_113 = arith.addf %add3A_111, %add3A_112 : vector<512x128xf32>
    %mul3A_114 = arith.constant 2.000000e+00 : f32
    %mul3A_115 = vector.broadcast %mul3A_114 : f32 to vector<512x128xf32>
    %mul3A_116 = arith.mulf %mul3A_115, %dot_general3A_109 : vector<512x128xf32>
    %sub3A_117 = arith.subf %add3A_113, %mul3A_116 : vector<512x128xf32>
    %swap3A_118 = arith.constant 0 : index
    %swap3A_119 = arith.constant 640 : index
    %swap3A_120 = vector.load %arg3[%swap3A_118, %swap3A_119] : memref<2048x1024xf32, #tpu.memory_space<vmem>>, vector<512x128xf32>
    tpu.vector_store %arg3[%swap3A_118, %swap3A_119], %sub3A_117 {strides = array<i32>} : memref<2048x1024xf32, #tpu.memory_space<vmem>>, vector<512x128xf32>,
    %lt3A_121 = arith.cmpf olt, %sub3A_117, %select_n3A_106 : vector<512x128xf32>
    %add3A_122 = arith.constant 640 : i32
    %add3A_123 = vector.broadcast %add3A_122 : i32 to vector<512x128xi32>
    %add3A_124 = arith.addi %iota3A, %add3A_123 : vector<512x128xi32>
    %select_n3A_125 = arith.select %lt3A_121, %add3A_124, %select_n3A_105 : vector<512x128xi1>, vector<512x128xi32>
    %select_n3A_126 = arith.select %lt3A_121, %sub3A_117, %select_n3A_106 : vector<512x128xi1>, vector<512x128xf32>
    %slice3A_127 = vector.extract_strided_slice %get3A_1 {offsets = [768, 0], sizes = [128, 32], strides = [1, 1]} : vector<1024x32xf32> to vector<128x32xf32>
    %dot_general3A_128 = arith.constant dense<0.000000e+00> : vector<512x128xf32>
    %dot_general3A_129 = tpu.matmul %get3A_5, %slice3A_127, %dot_general3A_128 {dimension_numbers = #tpu.dot_dimension_numbers<[1], [1], [0], [0], [0, 0, 1, 0], [], []>, transpose_lhs_hint = false} : vector<512x32xf32>, vector<128x32xf32>, vector<512x128xf32> -> vector<512x128xf32>
    %slice3A_130 = vector.extract_strided_slice %broadcast_in_dim3A {offsets = [0, 768], sizes = [1, 128], strides = [1, 1]} : vector<1x1024xf32> to vector<1x128xf32>
    %add3A_131 = vector.broadcast %broadcast_in_dim3A_9 : vector<512x1xf32> to vector<512x128xf32>
    %add3A_132 = vector.broadcast %slice3A_130 : vector<1x128xf32> to vector<512x128xf32>
    %add3A_133 = arith.addf %add3A_131, %add3A_132 : vector<512x128xf32>
    %mul3A_134 = arith.constant 2.000000e+00 : f32
    %mul3A_135 = vector.broadcast %mul3A_134 : f32 to vector<512x128xf32>
    %mul3A_136 = arith.mulf %mul3A_135, %dot_general3A_129 : vector<512x128xf32>
    %sub3A_137 = arith.subf %add3A_133, %mul3A_136 : vector<512x128xf32>
    %swap3A_138 = arith.constant 0 : index
    %swap3A_139 = arith.constant 768 : index
    %swap3A_140 = vector.load %arg3[%swap3A_138, %swap3A_139] : memref<2048x1024xf32, #tpu.memory_space<vmem>>, vector<512x128xf32>
    tpu.vector_store %arg3[%swap3A_138, %swap3A_139], %sub3A_137 {strides = array<i32>} : memref<2048x1024xf32, #tpu.memory_space<vmem>>, vector<512x128xf32>,
    %lt3A_141 = arith.cmpf olt, %sub3A_137, %select_n3A_126 : vector<512x128xf32>
    %add3A_142 = arith.constant 768 : i32
    %add3A_143 = vector.broadcast %add3A_142 : i32 to vector<512x128xi32>
    %add3A_144 = arith.addi %iota3A, %add3A_143 : vector<512x128xi32>
    %select_n3A_145 = arith.select %lt3A_141, %add3A_144, %select_n3A_125 : vector<512x128xi1>, vector<512x128xi32>
    %select_n3A_146 = arith.select %lt3A_141, %sub3A_137, %select_n3A_126 : vector<512x128xi1>, vector<512x128xf32>
    %slice3A_147 = vector.extract_strided_slice %get3A_1 {offsets = [896, 0], sizes = [128, 32], strides = [1, 1]} : vector<1024x32xf32> to vector<128x32xf32>
    %dot_general3A_148 = arith.constant dense<0.000000e+00> : vector<512x128xf32>
    %dot_general3A_149 = tpu.matmul %get3A_5, %slice3A_147, %dot_general3A_148 {dimension_numbers = #tpu.dot_dimension_numbers<[1], [1], [0], [0], [0, 0, 1, 0], [], []>, transpose_lhs_hint = false} : vector<512x32xf32>, vector<128x32xf32>, vector<512x128xf32> -> vector<512x128xf32>
    %slice3A_150 = vector.extract_strided_slice %broadcast_in_dim3A {offsets = [0, 896], sizes = [1, 128], strides = [1, 1]} : vector<1x1024xf32> to vector<1x128xf32>
    %add3A_151 = vector.broadcast %broadcast_in_dim3A_9 : vector<512x1xf32> to vector<512x128xf32>
    %add3A_152 = vector.broadcast %slice3A_150 : vector<1x128xf32> to vector<512x128xf32>
    %add3A_153 = arith.addf %add3A_151, %add3A_152 : vector<512x128xf32>
    %mul3A_154 = arith.constant 2.000000e+00 : f32
    %mul3A_155 = vector.broadcast %mul3A_154 : f32 to vector<512x128xf32>
    %mul3A_156 = arith.mulf %mul3A_155, %dot_general3A_149 : vector<512x128xf32>
    %sub3A_157 = arith.subf %add3A_153, %mul3A_156 : vector<512x128xf32>
    %swap3A_158 = arith.constant 0 : index
    %swap3A_159 = arith.constant 896 : index
    %swap3A_160 = vector.load %arg3[%swap3A_158, %swap3A_159] : memref<2048x1024xf32, #tpu.memory_space<vmem>>, vector<512x128xf32>
    tpu.vector_store %arg3[%swap3A_158, %swap3A_159], %sub3A_157 {strides = array<i32>} : memref<2048x1024xf32, #tpu.memory_space<vmem>>, vector<512x128xf32>,
    %lt3A_161 = arith.cmpf olt, %sub3A_157, %select_n3A_146 : vector<512x128xf32>
    %add3A_162 = arith.constant 896 : i32
    %add3A_163 = vector.broadcast %add3A_162 : i32 to vector<512x128xi32>
    %add3A_164 = arith.addi %iota3A, %add3A_163 : vector<512x128xi32>
    %select_n3A_165 = arith.select %lt3A_161, %add3A_164, %select_n3A_145 : vector<512x128xi1>, vector<512x128xi32>
    %select_n3A_166 = arith.select %lt3A_161, %sub3A_157, %select_n3A_146 : vector<512x128xi1>, vector<512x128xf32>
    %reduce_min3A = arith.constant dense<0x7F800000> : vector<512xf32>
    %reduce_min3A_167 = vector.multi_reduction <minimumf>, %select_n3A_166, %reduce_min3A [1] : vector<512x128xf32> to vector<512xf32>
    %broadcast_in_dim3A_168 = vector.shape_cast %reduce_min3A_167 : vector<512xf32> to vector<512x1xf32>
    %eq3A = vector.broadcast %broadcast_in_dim3A_168 : vector<512x1xf32> to vector<512x128xf32>
    %eq3A_169 = arith.cmpf oeq, %select_n3A_166, %eq3A : vector<512x128xf32>
    %jit3A = arith.constant 1073741824 : i32
    %broadcast_in_dim3A_170 = vector.broadcast %jit3A : i32 to vector<512x128xi32>
    %select_n3A_171 = arith.select %eq3A_169, %select_n3A_165, %broadcast_in_dim3A_170 : vector<512x128xi1>, vector<512x128xi32>
    %reduce_min3A_172 = arith.constant dense<2147483647> : vector<512xi32>
    %reduce_min3A_173 = vector.multi_reduction <minsi>, %select_n3A_171, %reduce_min3A_172 [1] : vector<512x128xi32> to vector<512xi32>
    %reshape3A = vector.shape_cast %reduce_min3A_173 : vector<512xi32> to vector<4x128xi32>
    %swap3A_174 = arith.constant 0 : index
    %swap3A_175 = arith.constant 0 : index
    %swap3A_176 = vector.load %arg4[%swap3A_174, %swap3A_175] : memref<16x128xi32, #tpu.memory_space<vmem>>, vector<4x128xi32>
    tpu.vector_store %arg4[%swap3A_174, %swap3A_175], %reshape3A {strides = array<i32>} : memref<16x128xi32, #tpu.memory_space<vmem>>, vector<4x128xi32>,
    %get3A_177 = arith.constant 512 : index
    %get3A_178 = arith.constant 0 : index
    %get3A_179 = vector.load %arg1[%get3A_177, %get3A_178] : memref<2048x32xf32, #tpu.memory_space<vmem>>, vector<512x32xf32>
    %mul3A_180 = arith.mulf %get3A_179, %get3A_179 : vector<512x32xf32>
    %reduce_sum3A_181 = arith.constant dense<0.000000e+00> : vector<512xf32>
    %reduce_sum3A_182 = vector.multi_reduction <add>, %mul3A_180, %reduce_sum3A_181 [1] : vector<512x32xf32> to vector<512xf32>
    %broadcast_in_dim3A_183 = vector.shape_cast %reduce_sum3A_182 : vector<512xf32> to vector<512x1xf32>
    %broadcast_in_dim3A_184 = arith.constant 0x7F800000 : f32
    %broadcast_in_dim3A_185 = vector.broadcast %broadcast_in_dim3A_184 : f32 to vector<512x128xf32>
    %broadcast_in_dim3A_186 = arith.constant 0 : i32
    %broadcast_in_dim3A_187 = vector.broadcast %broadcast_in_dim3A_186 : i32 to vector<512x128xi32>
    %iota3A_188 = tpu.iota {dimensions = array<i32: 1>} : vector<512x128xi32>
    %slice3A_189 = vector.extract_strided_slice %get3A_1 {offsets = [0, 0], sizes = [128, 32], strides = [1, 1]} : vector<1024x32xf32> to vector<128x32xf32>
    %dot_general3A_190 = arith.constant dense<0.000000e+00> : vector<512x128xf32>
    %dot_general3A_191 = tpu.matmul %get3A_179, %slice3A_189, %dot_general3A_190 {dimension_numbers = #tpu.dot_dimension_numbers<[1], [1], [0], [0], [0, 0, 1, 0], [], []>, transpose_lhs_hint = false} : vector<512x32xf32>, vector<128x32xf32>, vector<512x128xf32> -> vector<512x128xf32>
    %slice3A_192 = vector.extract_strided_slice %broadcast_in_dim3A {offsets = [0, 0], sizes = [1, 128], strides = [1, 1]} : vector<1x1024xf32> to vector<1x128xf32>
    %add3A_193 = vector.broadcast %broadcast_in_dim3A_183 : vector<512x1xf32> to vector<512x128xf32>
    %add3A_194 = vector.broadcast %slice3A_192 : vector<1x128xf32> to vector<512x128xf32>
    %add3A_195 = arith.addf %add3A_193, %add3A_194 : vector<512x128xf32>
    %mul3A_196 = arith.constant 2.000000e+00 : f32
    %mul3A_197 = vector.broadcast %mul3A_196 : f32 to vector<512x128xf32>
    %mul3A_198 = arith.mulf %mul3A_197, %dot_general3A_191 : vector<512x128xf32>
    %sub3A_199 = arith.subf %add3A_195, %mul3A_198 : vector<512x128xf32>
    %swap3A_200 = arith.constant 512 : index
    %swap3A_201 = arith.constant 0 : index
    %swap3A_202 = vector.load %arg3[%swap3A_200, %swap3A_201] : memref<2048x1024xf32, #tpu.memory_space<vmem>>, vector<512x128xf32>
    tpu.vector_store %arg3[%swap3A_200, %swap3A_201], %sub3A_199 {strides = array<i32>} : memref<2048x1024xf32, #tpu.memory_space<vmem>>, vector<512x128xf32>,
    %lt3A_203 = arith.cmpf olt, %sub3A_199, %broadcast_in_dim3A_185 : vector<512x128xf32>
    %add3A_204 = arith.constant 0 : i32
    %add3A_205 = vector.broadcast %add3A_204 : i32 to vector<512x128xi32>
    %add3A_206 = arith.addi %iota3A_188, %add3A_205 : vector<512x128xi32>
    %select_n3A_207 = arith.select %lt3A_203, %add3A_206, %broadcast_in_dim3A_187 : vector<512x128xi1>, vector<512x128xi32>
    %select_n3A_208 = arith.select %lt3A_203, %sub3A_199, %broadcast_in_dim3A_185 : vector<512x128xi1>, vector<512x128xf32>
    %slice3A_209 = vector.extract_strided_slice %get3A_1 {offsets = [128, 0], sizes = [128, 32], strides = [1, 1]} : vector<1024x32xf32> to vector<128x32xf32>
    %dot_general3A_210 = arith.constant dense<0.000000e+00> : vector<512x128xf32>
    %dot_general3A_211 = tpu.matmul %get3A_179, %slice3A_209, %dot_general3A_210 {dimension_numbers = #tpu.dot_dimension_numbers<[1], [1], [0], [0], [0, 0, 1, 0], [], []>, transpose_lhs_hint = false} : vector<512x32xf32>, vector<128x32xf32>, vector<512x128xf32> -> vector<512x128xf32>
    %slice3A_212 = vector.extract_strided_slice %broadcast_in_dim3A {offsets = [0, 128], sizes = [1, 128], strides = [1, 1]} : vector<1x1024xf32> to vector<1x128xf32>
    %add3A_213 = vector.broadcast %broadcast_in_dim3A_183 : vector<512x1xf32> to vector<512x128xf32>
    %add3A_214 = vector.broadcast %slice3A_212 : vector<1x128xf32> to vector<512x128xf32>
    %add3A_215 = arith.addf %add3A_213, %add3A_214 : vector<512x128xf32>
    %mul3A_216 = arith.constant 2.000000e+00 : f32
    %mul3A_217 = vector.broadcast %mul3A_216 : f32 to vector<512x128xf32>
    %mul3A_218 = arith.mulf %mul3A_217, %dot_general3A_211 : vector<512x128xf32>
    %sub3A_219 = arith.subf %add3A_215, %mul3A_218 : vector<512x128xf32>
    %swap3A_220 = arith.constant 512 : index
    %swap3A_221 = arith.constant 128 : index
    %swap3A_222 = vector.load %arg3[%swap3A_220, %swap3A_221] : memref<2048x1024xf32, #tpu.memory_space<vmem>>, vector<512x128xf32>
    tpu.vector_store %arg3[%swap3A_220, %swap3A_221], %sub3A_219 {strides = array<i32>} : memref<2048x1024xf32, #tpu.memory_space<vmem>>, vector<512x128xf32>,
    %lt3A_223 = arith.cmpf olt, %sub3A_219, %select_n3A_208 : vector<512x128xf32>
    %add3A_224 = arith.constant 128 : i32
    %add3A_225 = vector.broadcast %add3A_224 : i32 to vector<512x128xi32>
    %add3A_226 = arith.addi %iota3A_188, %add3A_225 : vector<512x128xi32>
    %select_n3A_227 = arith.select %lt3A_223, %add3A_226, %select_n3A_207 : vector<512x128xi1>, vector<512x128xi32>
    %select_n3A_228 = arith.select %lt3A_223, %sub3A_219, %select_n3A_208 : vector<512x128xi1>, vector<512x128xf32>
    %slice3A_229 = vector.extract_strided_slice %get3A_1 {offsets = [256, 0], sizes = [128, 32], strides = [1, 1]} : vector<1024x32xf32> to vector<128x32xf32>
    %dot_general3A_230 = arith.constant dense<0.000000e+00> : vector<512x128xf32>
    %dot_general3A_231 = tpu.matmul %get3A_179, %slice3A_229, %dot_general3A_230 {dimension_numbers = #tpu.dot_dimension_numbers<[1], [1], [0], [0], [0, 0, 1, 0], [], []>, transpose_lhs_hint = false} : vector<512x32xf32>, vector<128x32xf32>, vector<512x128xf32> -> vector<512x128xf32>
    %slice3A_232 = vector.extract_strided_slice %broadcast_in_dim3A {offsets = [0, 256], sizes = [1, 128], strides = [1, 1]} : vector<1x1024xf32> to vector<1x128xf32>
    %add3A_233 = vector.broadcast %broadcast_in_dim3A_183 : vector<512x1xf32> to vector<512x128xf32>
    %add3A_234 = vector.broadcast %slice3A_232 : vector<1x128xf32> to vector<512x128xf32>
    %add3A_235 = arith.addf %add3A_233, %add3A_234 : vector<512x128xf32>
    %mul3A_236 = arith.constant 2.000000e+00 : f32
    %mul3A_237 = vector.broadcast %mul3A_236 : f32 to vector<512x128xf32>
    %mul3A_238 = arith.mulf %mul3A_237, %dot_general3A_231 : vector<512x128xf32>
    %sub3A_239 = arith.subf %add3A_235, %mul3A_238 : vector<512x128xf32>
    %swap3A_240 = arith.constant 512 : index
    %swap3A_241 = arith.constant 256 : index
    %swap3A_242 = vector.load %arg3[%swap3A_240, %swap3A_241] : memref<2048x1024xf32, #tpu.memory_space<vmem>>, vector<512x128xf32>
    tpu.vector_store %arg3[%swap3A_240, %swap3A_241], %sub3A_239 {strides = array<i32>} : memref<2048x1024xf32, #tpu.memory_space<vmem>>, vector<512x128xf32>,
    %lt3A_243 = arith.cmpf olt, %sub3A_239, %select_n3A_228 : vector<512x128xf32>
    %add3A_244 = arith.constant 256 : i32
    %add3A_245 = vector.broadcast %add3A_244 : i32 to vector<512x128xi32>
    %add3A_246 = arith.addi %iota3A_188, %add3A_245 : vector<512x128xi32>
    %select_n3A_247 = arith.select %lt3A_243, %add3A_246, %select_n3A_227 : vector<512x128xi1>, vector<512x128xi32>
    %select_n3A_248 = arith.select %lt3A_243, %sub3A_239, %select_n3A_228 : vector<512x128xi1>, vector<512x128xf32>
    %slice3A_249 = vector.extract_strided_slice %get3A_1 {offsets = [384, 0], sizes = [128, 32], strides = [1, 1]} : vector<1024x32xf32> to vector<128x32xf32>
    %dot_general3A_250 = arith.constant dense<0.000000e+00> : vector<512x128xf32>
    %dot_general3A_251 = tpu.matmul %get3A_179, %slice3A_249, %dot_general3A_250 {dimension_numbers = #tpu.dot_dimension_numbers<[1], [1], [0], [0], [0, 0, 1, 0], [], []>, transpose_lhs_hint = false} : vector<512x32xf32>, vector<128x32xf32>, vector<512x128xf32> -> vector<512x128xf32>
    %slice3A_252 = vector.extract_strided_slice %broadcast_in_dim3A {offsets = [0, 384], sizes = [1, 128], strides = [1, 1]} : vector<1x1024xf32> to vector<1x128xf32>
    %add3A_253 = vector.broadcast %broadcast_in_dim3A_183 : vector<512x1xf32> to vector<512x128xf32>
    %add3A_254 = vector.broadcast %slice3A_252 : vector<1x128xf32> to vector<512x128xf32>
    %add3A_255 = arith.addf %add3A_253, %add3A_254 : vector<512x128xf32>
    %mul3A_256 = arith.constant 2.000000e+00 : f32
    %mul3A_257 = vector.broadcast %mul3A_256 : f32 to vector<512x128xf32>
    %mul3A_258 = arith.mulf %mul3A_257, %dot_general3A_251 : vector<512x128xf32>
    %sub3A_259 = arith.subf %add3A_255, %mul3A_258 : vector<512x128xf32>
    %swap3A_260 = arith.constant 512 : index
    %swap3A_261 = arith.constant 384 : index
    %swap3A_262 = vector.load %arg3[%swap3A_260, %swap3A_261] : memref<2048x1024xf32, #tpu.memory_space<vmem>>, vector<512x128xf32>
    tpu.vector_store %arg3[%swap3A_260, %swap3A_261], %sub3A_259 {strides = array<i32>} : memref<2048x1024xf32, #tpu.memory_space<vmem>>, vector<512x128xf32>,
    %lt3A_263 = arith.cmpf olt, %sub3A_259, %select_n3A_248 : vector<512x128xf32>
    %add3A_264 = arith.constant 384 : i32
    %add3A_265 = vector.broadcast %add3A_264 : i32 to vector<512x128xi32>
    %add3A_266 = arith.addi %iota3A_188, %add3A_265 : vector<512x128xi32>
    %select_n3A_267 = arith.select %lt3A_263, %add3A_266, %select_n3A_247 : vector<512x128xi1>, vector<512x128xi32>
    %select_n3A_268 = arith.select %lt3A_263, %sub3A_259, %select_n3A_248 : vector<512x128xi1>, vector<512x128xf32>
    %slice3A_269 = vector.extract_strided_slice %get3A_1 {offsets = [512, 0], sizes = [128, 32], strides = [1, 1]} : vector<1024x32xf32> to vector<128x32xf32>
    %dot_general3A_270 = arith.constant dense<0.000000e+00> : vector<512x128xf32>
    %dot_general3A_271 = tpu.matmul %get3A_179, %slice3A_269, %dot_general3A_270 {dimension_numbers = #tpu.dot_dimension_numbers<[1], [1], [0], [0], [0, 0, 1, 0], [], []>, transpose_lhs_hint = false} : vector<512x32xf32>, vector<128x32xf32>, vector<512x128xf32> -> vector<512x128xf32>
    %slice3A_272 = vector.extract_strided_slice %broadcast_in_dim3A {offsets = [0, 512], sizes = [1, 128], strides = [1, 1]} : vector<1x1024xf32> to vector<1x128xf32>
    %add3A_273 = vector.broadcast %broadcast_in_dim3A_183 : vector<512x1xf32> to vector<512x128xf32>
    %add3A_274 = vector.broadcast %slice3A_272 : vector<1x128xf32> to vector<512x128xf32>
    %add3A_275 = arith.addf %add3A_273, %add3A_274 : vector<512x128xf32>
    %mul3A_276 = arith.constant 2.000000e+00 : f32
    %mul3A_277 = vector.broadcast %mul3A_276 : f32 to vector<512x128xf32>
    %mul3A_278 = arith.mulf %mul3A_277, %dot_general3A_271 : vector<512x128xf32>
    %sub3A_279 = arith.subf %add3A_275, %mul3A_278 : vector<512x128xf32>
    %swap3A_280 = arith.constant 512 : index
    %swap3A_281 = arith.constant 512 : index
    %swap3A_282 = vector.load %arg3[%swap3A_280, %swap3A_281] : memref<2048x1024xf32, #tpu.memory_space<vmem>>, vector<512x128xf32>
    tpu.vector_store %arg3[%swap3A_280, %swap3A_281], %sub3A_279 {strides = array<i32>} : memref<2048x1024xf32, #tpu.memory_space<vmem>>, vector<512x128xf32>,
    %lt3A_283 = arith.cmpf olt, %sub3A_279, %select_n3A_268 : vector<512x128xf32>
    %add3A_284 = arith.constant 512 : i32
    %add3A_285 = vector.broadcast %add3A_284 : i32 to vector<512x128xi32>
    %add3A_286 = arith.addi %iota3A_188, %add3A_285 : vector<512x128xi32>
    %select_n3A_287 = arith.select %lt3A_283, %add3A_286, %select_n3A_267 : vector<512x128xi1>, vector<512x128xi32>
    %select_n3A_288 = arith.select %lt3A_283, %sub3A_279, %select_n3A_268 : vector<512x128xi1>, vector<512x128xf32>
    %slice3A_289 = vector.extract_strided_slice %get3A_1 {offsets = [640, 0], sizes = [128, 32], strides = [1, 1]} : vector<1024x32xf32> to vector<128x32xf32>
    %dot_general3A_290 = arith.constant dense<0.000000e+00> : vector<512x128xf32>
    %dot_general3A_291 = tpu.matmul %get3A_179, %slice3A_289, %dot_general3A_290 {dimension_numbers = #tpu.dot_dimension_numbers<[1], [1], [0], [0], [0, 0, 1, 0], [], []>, transpose_lhs_hint = false} : vector<512x32xf32>, vector<128x32xf32>, vector<512x128xf32> -> vector<512x128xf32>
    %slice3A_292 = vector.extract_strided_slice %broadcast_in_dim3A {offsets = [0, 640], sizes = [1, 128], strides = [1, 1]} : vector<1x1024xf32> to vector<1x128xf32>
    %add3A_293 = vector.broadcast %broadcast_in_dim3A_183 : vector<512x1xf32> to vector<512x128xf32>
    %add3A_294 = vector.broadcast %slice3A_292 : vector<1x128xf32> to vector<512x128xf32>
    %add3A_295 = arith.addf %add3A_293, %add3A_294 : vector<512x128xf32>
    %mul3A_296 = arith.constant 2.000000e+00 : f32
    %mul3A_297 = vector.broadcast %mul3A_296 : f32 to vector<512x128xf32>
    %mul3A_298 = arith.mulf %mul3A_297, %dot_general3A_291 : vector<512x128xf32>
    %sub3A_299 = arith.subf %add3A_295, %mul3A_298 : vector<512x128xf32>
    %swap3A_300 = arith.constant 512 : index
    %swap3A_301 = arith.constant 640 : index
    %swap3A_302 = vector.load %arg3[%swap3A_300, %swap3A_301] : memref<2048x1024xf32, #tpu.memory_space<vmem>>, vector<512x128xf32>
    tpu.vector_store %arg3[%swap3A_300, %swap3A_301], %sub3A_299 {strides = array<i32>} : memref<2048x1024xf32, #tpu.memory_space<vmem>>, vector<512x128xf32>,
    %lt3A_303 = arith.cmpf olt, %sub3A_299, %select_n3A_288 : vector<512x128xf32>
    %add3A_304 = arith.constant 640 : i32
    %add3A_305 = vector.broadcast %add3A_304 : i32 to vector<512x128xi32>
    %add3A_306 = arith.addi %iota3A_188, %add3A_305 : vector<512x128xi32>
    %select_n3A_307 = arith.select %lt3A_303, %add3A_306, %select_n3A_287 : vector<512x128xi1>, vector<512x128xi32>
    %select_n3A_308 = arith.select %lt3A_303, %sub3A_299, %select_n3A_288 : vector<512x128xi1>, vector<512x128xf32>
    %slice3A_309 = vector.extract_strided_slice %get3A_1 {offsets = [768, 0], sizes = [128, 32], strides = [1, 1]} : vector<1024x32xf32> to vector<128x32xf32>
    %dot_general3A_310 = arith.constant dense<0.000000e+00> : vector<512x128xf32>
    %dot_general3A_311 = tpu.matmul %get3A_179, %slice3A_309, %dot_general3A_310 {dimension_numbers = #tpu.dot_dimension_numbers<[1], [1], [0], [0], [0, 0, 1, 0], [], []>, transpose_lhs_hint = false} : vector<512x32xf32>, vector<128x32xf32>, vector<512x128xf32> -> vector<512x128xf32>
    %slice3A_312 = vector.extract_strided_slice %broadcast_in_dim3A {offsets = [0, 768], sizes = [1, 128], strides = [1, 1]} : vector<1x1024xf32> to vector<1x128xf32>
    %add3A_313 = vector.broadcast %broadcast_in_dim3A_183 : vector<512x1xf32> to vector<512x128xf32>
    %add3A_314 = vector.broadcast %slice3A_312 : vector<1x128xf32> to vector<512x128xf32>
    %add3A_315 = arith.addf %add3A_313, %add3A_314 : vector<512x128xf32>
    %mul3A_316 = arith.constant 2.000000e+00 : f32
    %mul3A_317 = vector.broadcast %mul3A_316 : f32 to vector<512x128xf32>
    %mul3A_318 = arith.mulf %mul3A_317, %dot_general3A_311 : vector<512x128xf32>
    %sub3A_319 = arith.subf %add3A_315, %mul3A_318 : vector<512x128xf32>
    %swap3A_320 = arith.constant 512 : index
    %swap3A_321 = arith.constant 768 : index
    %swap3A_322 = vector.load %arg3[%swap3A_320, %swap3A_321] : memref<2048x1024xf32, #tpu.memory_space<vmem>>, vector<512x128xf32>
    tpu.vector_store %arg3[%swap3A_320, %swap3A_321], %sub3A_319 {strides = array<i32>} : memref<2048x1024xf32, #tpu.memory_space<vmem>>, vector<512x128xf32>,
    %lt3A_323 = arith.cmpf olt, %sub3A_319, %select_n3A_308 : vector<512x128xf32>
    %add3A_324 = arith.constant 768 : i32
    %add3A_325 = vector.broadcast %add3A_324 : i32 to vector<512x128xi32>
    %add3A_326 = arith.addi %iota3A_188, %add3A_325 : vector<512x128xi32>
    %select_n3A_327 = arith.select %lt3A_323, %add3A_326, %select_n3A_307 : vector<512x128xi1>, vector<512x128xi32>
    %select_n3A_328 = arith.select %lt3A_323, %sub3A_319, %select_n3A_308 : vector<512x128xi1>, vector<512x128xf32>
    %slice3A_329 = vector.extract_strided_slice %get3A_1 {offsets = [896, 0], sizes = [128, 32], strides = [1, 1]} : vector<1024x32xf32> to vector<128x32xf32>
    %dot_general3A_330 = arith.constant dense<0.000000e+00> : vector<512x128xf32>
    %dot_general3A_331 = tpu.matmul %get3A_179, %slice3A_329, %dot_general3A_330 {dimension_numbers = #tpu.dot_dimension_numbers<[1], [1], [0], [0], [0, 0, 1, 0], [], []>, transpose_lhs_hint = false} : vector<512x32xf32>, vector<128x32xf32>, vector<512x128xf32> -> vector<512x128xf32>
    %slice3A_332 = vector.extract_strided_slice %broadcast_in_dim3A {offsets = [0, 896], sizes = [1, 128], strides = [1, 1]} : vector<1x1024xf32> to vector<1x128xf32>
    %add3A_333 = vector.broadcast %broadcast_in_dim3A_183 : vector<512x1xf32> to vector<512x128xf32>
    %add3A_334 = vector.broadcast %slice3A_332 : vector<1x128xf32> to vector<512x128xf32>
    %add3A_335 = arith.addf %add3A_333, %add3A_334 : vector<512x128xf32>
    %mul3A_336 = arith.constant 2.000000e+00 : f32
    %mul3A_337 = vector.broadcast %mul3A_336 : f32 to vector<512x128xf32>
    %mul3A_338 = arith.mulf %mul3A_337, %dot_general3A_331 : vector<512x128xf32>
    %sub3A_339 = arith.subf %add3A_335, %mul3A_338 : vector<512x128xf32>
    %swap3A_340 = arith.constant 512 : index
    %swap3A_341 = arith.constant 896 : index
    %swap3A_342 = vector.load %arg3[%swap3A_340, %swap3A_341] : memref<2048x1024xf32, #tpu.memory_space<vmem>>, vector<512x128xf32>
    tpu.vector_store %arg3[%swap3A_340, %swap3A_341], %sub3A_339 {strides = array<i32>} : memref<2048x1024xf32, #tpu.memory_space<vmem>>, vector<512x128xf32>,
    %lt3A_343 = arith.cmpf olt, %sub3A_339, %select_n3A_328 : vector<512x128xf32>
    %add3A_344 = arith.constant 896 : i32
    %add3A_345 = vector.broadcast %add3A_344 : i32 to vector<512x128xi32>
    %add3A_346 = arith.addi %iota3A_188, %add3A_345 : vector<512x128xi32>
    %select_n3A_347 = arith.select %lt3A_343, %add3A_346, %select_n3A_327 : vector<512x128xi1>, vector<512x128xi32>
    %select_n3A_348 = arith.select %lt3A_343, %sub3A_339, %select_n3A_328 : vector<512x128xi1>, vector<512x128xf32>
    %reduce_min3A_349 = arith.constant dense<0x7F800000> : vector<512xf32>
    %reduce_min3A_350 = vector.multi_reduction <minimumf>, %select_n3A_348, %reduce_min3A_349 [1] : vector<512x128xf32> to vector<512xf32>
    %broadcast_in_dim3A_351 = vector.shape_cast %reduce_min3A_350 : vector<512xf32> to vector<512x1xf32>
    %eq3A_352 = vector.broadcast %broadcast_in_dim3A_351 : vector<512x1xf32> to vector<512x128xf32>
    %eq3A_353 = arith.cmpf oeq, %select_n3A_348, %eq3A_352 : vector<512x128xf32>
    %jit3A_354 = arith.constant 1073741824 : i32
    %broadcast_in_dim3A_355 = vector.broadcast %jit3A_354 : i32 to vector<512x128xi32>
    %select_n3A_356 = arith.select %eq3A_353, %select_n3A_347, %broadcast_in_dim3A_355 : vector<512x128xi1>, vector<512x128xi32>
    %reduce_min3A_357 = arith.constant dense<2147483647> : vector<512xi32>
    %reduce_min3A_358 = vector.multi_reduction <minsi>, %select_n3A_356, %reduce_min3A_357 [1] : vector<512x128xi32> to vector<512xi32>
    %reshape3A_359 = vector.shape_cast %reduce_min3A_358 : vector<512xi32> to vector<4x128xi32>
    %swap3A_360 = arith.constant 4 : index
    %swap3A_361 = arith.constant 0 : index
    %swap3A_362 = vector.load %arg4[%swap3A_360, %swap3A_361] : memref<16x128xi32, #tpu.memory_space<vmem>>, vector<4x128xi32>
    tpu.vector_store %arg4[%swap3A_360, %swap3A_361], %reshape3A_359 {strides = array<i32>} : memref<16x128xi32, #tpu.memory_space<vmem>>, vector<4x128xi32>,
    %get3A_363 = arith.constant 1024 : index
    %get3A_364 = arith.constant 0 : index
    %get3A_365 = vector.load %arg1[%get3A_363, %get3A_364] : memref<2048x32xf32, #tpu.memory_space<vmem>>, vector<512x32xf32>
    %mul3A_366 = arith.mulf %get3A_365, %get3A_365 : vector<512x32xf32>
    %reduce_sum3A_367 = arith.constant dense<0.000000e+00> : vector<512xf32>
    %reduce_sum3A_368 = vector.multi_reduction <add>, %mul3A_366, %reduce_sum3A_367 [1] : vector<512x32xf32> to vector<512xf32>
    %broadcast_in_dim3A_369 = vector.shape_cast %reduce_sum3A_368 : vector<512xf32> to vector<512x1xf32>
    %broadcast_in_dim3A_370 = arith.constant 0x7F800000 : f32
    %broadcast_in_dim3A_371 = vector.broadcast %broadcast_in_dim3A_370 : f32 to vector<512x128xf32>
    %broadcast_in_dim3A_372 = arith.constant 0 : i32
    %broadcast_in_dim3A_373 = vector.broadcast %broadcast_in_dim3A_372 : i32 to vector<512x128xi32>
    %iota3A_374 = tpu.iota {dimensions = array<i32: 1>} : vector<512x128xi32>
    %slice3A_375 = vector.extract_strided_slice %get3A_1 {offsets = [0, 0], sizes = [128, 32], strides = [1, 1]} : vector<1024x32xf32> to vector<128x32xf32>
    %dot_general3A_376 = arith.constant dense<0.000000e+00> : vector<512x128xf32>
    %dot_general3A_377 = tpu.matmul %get3A_365, %slice3A_375, %dot_general3A_376 {dimension_numbers = #tpu.dot_dimension_numbers<[1], [1], [0], [0], [0, 0, 1, 0], [], []>, transpose_lhs_hint = false} : vector<512x32xf32>, vector<128x32xf32>, vector<512x128xf32> -> vector<512x128xf32>
    %slice3A_378 = vector.extract_strided_slice %broadcast_in_dim3A {offsets = [0, 0], sizes = [1, 128], strides = [1, 1]} : vector<1x1024xf32> to vector<1x128xf32>
    %add3A_379 = vector.broadcast %broadcast_in_dim3A_369 : vector<512x1xf32> to vector<512x128xf32>
    %add3A_380 = vector.broadcast %slice3A_378 : vector<1x128xf32> to vector<512x128xf32>
    %add3A_381 = arith.addf %add3A_379, %add3A_380 : vector<512x128xf32>
    %mul3A_382 = arith.constant 2.000000e+00 : f32
    %mul3A_383 = vector.broadcast %mul3A_382 : f32 to vector<512x128xf32>
    %mul3A_384 = arith.mulf %mul3A_383, %dot_general3A_377 : vector<512x128xf32>
    %sub3A_385 = arith.subf %add3A_381, %mul3A_384 : vector<512x128xf32>
    %swap3A_386 = arith.constant 1024 : index
    %swap3A_387 = arith.constant 0 : index
    %swap3A_388 = vector.load %arg3[%swap3A_386, %swap3A_387] : memref<2048x1024xf32, #tpu.memory_space<vmem>>, vector<512x128xf32>
    tpu.vector_store %arg3[%swap3A_386, %swap3A_387], %sub3A_385 {strides = array<i32>} : memref<2048x1024xf32, #tpu.memory_space<vmem>>, vector<512x128xf32>,
    %lt3A_389 = arith.cmpf olt, %sub3A_385, %broadcast_in_dim3A_371 : vector<512x128xf32>
    %add3A_390 = arith.constant 0 : i32
    %add3A_391 = vector.broadcast %add3A_390 : i32 to vector<512x128xi32>
    %add3A_392 = arith.addi %iota3A_374, %add3A_391 : vector<512x128xi32>
    %select_n3A_393 = arith.select %lt3A_389, %add3A_392, %broadcast_in_dim3A_373 : vector<512x128xi1>, vector<512x128xi32>
    %select_n3A_394 = arith.select %lt3A_389, %sub3A_385, %broadcast_in_dim3A_371 : vector<512x128xi1>, vector<512x128xf32>
    %slice3A_395 = vector.extract_strided_slice %get3A_1 {offsets = [128, 0], sizes = [128, 32], strides = [1, 1]} : vector<1024x32xf32> to vector<128x32xf32>
    %dot_general3A_396 = arith.constant dense<0.000000e+00> : vector<512x128xf32>
    %dot_general3A_397 = tpu.matmul %get3A_365, %slice3A_395, %dot_general3A_396 {dimension_numbers = #tpu.dot_dimension_numbers<[1], [1], [0], [0], [0, 0, 1, 0], [], []>, transpose_lhs_hint = false} : vector<512x32xf32>, vector<128x32xf32>, vector<512x128xf32> -> vector<512x128xf32>
    %slice3A_398 = vector.extract_strided_slice %broadcast_in_dim3A {offsets = [0, 128], sizes = [1, 128], strides = [1, 1]} : vector<1x1024xf32> to vector<1x128xf32>
    %add3A_399 = vector.broadcast %broadcast_in_dim3A_369 : vector<512x1xf32> to vector<512x128xf32>
    %add3A_400 = vector.broadcast %slice3A_398 : vector<1x128xf32> to vector<512x128xf32>
    %add3A_401 = arith.addf %add3A_399, %add3A_400 : vector<512x128xf32>
    %mul3A_402 = arith.constant 2.000000e+00 : f32
    %mul3A_403 = vector.broadcast %mul3A_402 : f32 to vector<512x128xf32>
    %mul3A_404 = arith.mulf %mul3A_403, %dot_general3A_397 : vector<512x128xf32>
    %sub3A_405 = arith.subf %add3A_401, %mul3A_404 : vector<512x128xf32>
    %swap3A_406 = arith.constant 1024 : index
    %swap3A_407 = arith.constant 128 : index
    %swap3A_408 = vector.load %arg3[%swap3A_406, %swap3A_407] : memref<2048x1024xf32, #tpu.memory_space<vmem>>, vector<512x128xf32>
    tpu.vector_store %arg3[%swap3A_406, %swap3A_407], %sub3A_405 {strides = array<i32>} : memref<2048x1024xf32, #tpu.memory_space<vmem>>, vector<512x128xf32>,
    %lt3A_409 = arith.cmpf olt, %sub3A_405, %select_n3A_394 : vector<512x128xf32>
    %add3A_410 = arith.constant 128 : i32
    %add3A_411 = vector.broadcast %add3A_410 : i32 to vector<512x128xi32>
    %add3A_412 = arith.addi %iota3A_374, %add3A_411 : vector<512x128xi32>
    %select_n3A_413 = arith.select %lt3A_409, %add3A_412, %select_n3A_393 : vector<512x128xi1>, vector<512x128xi32>
    %select_n3A_414 = arith.select %lt3A_409, %sub3A_405, %select_n3A_394 : vector<512x128xi1>, vector<512x128xf32>
    %slice3A_415 = vector.extract_strided_slice %get3A_1 {offsets = [256, 0], sizes = [128, 32], strides = [1, 1]} : vector<1024x32xf32> to vector<128x32xf32>
    %dot_general3A_416 = arith.constant dense<0.000000e+00> : vector<512x128xf32>
    %dot_general3A_417 = tpu.matmul %get3A_365, %slice3A_415, %dot_general3A_416 {dimension_numbers = #tpu.dot_dimension_numbers<[1], [1], [0], [0], [0, 0, 1, 0], [], []>, transpose_lhs_hint = false} : vector<512x32xf32>, vector<128x32xf32>, vector<512x128xf32> -> vector<512x128xf32>
    %slice3A_418 = vector.extract_strided_slice %broadcast_in_dim3A {offsets = [0, 256], sizes = [1, 128], strides = [1, 1]} : vector<1x1024xf32> to vector<1x128xf32>
    %add3A_419 = vector.broadcast %broadcast_in_dim3A_369 : vector<512x1xf32> to vector<512x128xf32>
    %add3A_420 = vector.broadcast %slice3A_418 : vector<1x128xf32> to vector<512x128xf32>
    %add3A_421 = arith.addf %add3A_419, %add3A_420 : vector<512x128xf32>
    %mul3A_422 = arith.constant 2.000000e+00 : f32
    %mul3A_423 = vector.broadcast %mul3A_422 : f32 to vector<512x128xf32>
    %mul3A_424 = arith.mulf %mul3A_423, %dot_general3A_417 : vector<512x128xf32>
    %sub3A_425 = arith.subf %add3A_421, %mul3A_424 : vector<512x128xf32>
    %swap3A_426 = arith.constant 1024 : index
    %swap3A_427 = arith.constant 256 : index
    %swap3A_428 = vector.load %arg3[%swap3A_426, %swap3A_427] : memref<2048x1024xf32, #tpu.memory_space<vmem>>, vector<512x128xf32>
    tpu.vector_store %arg3[%swap3A_426, %swap3A_427], %sub3A_425 {strides = array<i32>} : memref<2048x1024xf32, #tpu.memory_space<vmem>>, vector<512x128xf32>,
    %lt3A_429 = arith.cmpf olt, %sub3A_425, %select_n3A_414 : vector<512x128xf32>
    %add3A_430 = arith.constant 256 : i32
    %add3A_431 = vector.broadcast %add3A_430 : i32 to vector<512x128xi32>
    %add3A_432 = arith.addi %iota3A_374, %add3A_431 : vector<512x128xi32>
    %select_n3A_433 = arith.select %lt3A_429, %add3A_432, %select_n3A_413 : vector<512x128xi1>, vector<512x128xi32>
    %select_n3A_434 = arith.select %lt3A_429, %sub3A_425, %select_n3A_414 : vector<512x128xi1>, vector<512x128xf32>
    %slice3A_435 = vector.extract_strided_slice %get3A_1 {offsets = [384, 0], sizes = [128, 32], strides = [1, 1]} : vector<1024x32xf32> to vector<128x32xf32>
    %dot_general3A_436 = arith.constant dense<0.000000e+00> : vector<512x128xf32>
    %dot_general3A_437 = tpu.matmul %get3A_365, %slice3A_435, %dot_general3A_436 {dimension_numbers = #tpu.dot_dimension_numbers<[1], [1], [0], [0], [0, 0, 1, 0], [], []>, transpose_lhs_hint = false} : vector<512x32xf32>, vector<128x32xf32>, vector<512x128xf32> -> vector<512x128xf32>
    %slice3A_438 = vector.extract_strided_slice %broadcast_in_dim3A {offsets = [0, 384], sizes = [1, 128], strides = [1, 1]} : vector<1x1024xf32> to vector<1x128xf32>
    %add3A_439 = vector.broadcast %broadcast_in_dim3A_369 : vector<512x1xf32> to vector<512x128xf32>
    %add3A_440 = vector.broadcast %slice3A_438 : vector<1x128xf32> to vector<512x128xf32>
    %add3A_441 = arith.addf %add3A_439, %add3A_440 : vector<512x128xf32>
    %mul3A_442 = arith.constant 2.000000e+00 : f32
    %mul3A_443 = vector.broadcast %mul3A_442 : f32 to vector<512x128xf32>
    %mul3A_444 = arith.mulf %mul3A_443, %dot_general3A_437 : vector<512x128xf32>
    %sub3A_445 = arith.subf %add3A_441, %mul3A_444 : vector<512x128xf32>
    %swap3A_446 = arith.constant 1024 : index
    %swap3A_447 = arith.constant 384 : index
    %swap3A_448 = vector.load %arg3[%swap3A_446, %swap3A_447] : memref<2048x1024xf32, #tpu.memory_space<vmem>>, vector<512x128xf32>
    tpu.vector_store %arg3[%swap3A_446, %swap3A_447], %sub3A_445 {strides = array<i32>} : memref<2048x1024xf32, #tpu.memory_space<vmem>>, vector<512x128xf32>,
    %lt3A_449 = arith.cmpf olt, %sub3A_445, %select_n3A_434 : vector<512x128xf32>
    %add3A_450 = arith.constant 384 : i32
    %add3A_451 = vector.broadcast %add3A_450 : i32 to vector<512x128xi32>
    %add3A_452 = arith.addi %iota3A_374, %add3A_451 : vector<512x128xi32>
    %select_n3A_453 = arith.select %lt3A_449, %add3A_452, %select_n3A_433 : vector<512x128xi1>, vector<512x128xi32>
    %select_n3A_454 = arith.select %lt3A_449, %sub3A_445, %select_n3A_434 : vector<512x128xi1>, vector<512x128xf32>
    %slice3A_455 = vector.extract_strided_slice %get3A_1 {offsets = [512, 0], sizes = [128, 32], strides = [1, 1]} : vector<1024x32xf32> to vector<128x32xf32>
    %dot_general3A_456 = arith.constant dense<0.000000e+00> : vector<512x128xf32>
    %dot_general3A_457 = tpu.matmul %get3A_365, %slice3A_455, %dot_general3A_456 {dimension_numbers = #tpu.dot_dimension_numbers<[1], [1], [0], [0], [0, 0, 1, 0], [], []>, transpose_lhs_hint = false} : vector<512x32xf32>, vector<128x32xf32>, vector<512x128xf32> -> vector<512x128xf32>
    %slice3A_458 = vector.extract_strided_slice %broadcast_in_dim3A {offsets = [0, 512], sizes = [1, 128], strides = [1, 1]} : vector<1x1024xf32> to vector<1x128xf32>
    %add3A_459 = vector.broadcast %broadcast_in_dim3A_369 : vector<512x1xf32> to vector<512x128xf32>
    %add3A_460 = vector.broadcast %slice3A_458 : vector<1x128xf32> to vector<512x128xf32>
    %add3A_461 = arith.addf %add3A_459, %add3A_460 : vector<512x128xf32>
    %mul3A_462 = arith.constant 2.000000e+00 : f32
    %mul3A_463 = vector.broadcast %mul3A_462 : f32 to vector<512x128xf32>
    %mul3A_464 = arith.mulf %mul3A_463, %dot_general3A_457 : vector<512x128xf32>
    %sub3A_465 = arith.subf %add3A_461, %mul3A_464 : vector<512x128xf32>
    %swap3A_466 = arith.constant 1024 : index
    %swap3A_467 = arith.constant 512 : index
    %swap3A_468 = vector.load %arg3[%swap3A_466, %swap3A_467] : memref<2048x1024xf32, #tpu.memory_space<vmem>>, vector<512x128xf32>
    tpu.vector_store %arg3[%swap3A_466, %swap3A_467], %sub3A_465 {strides = array<i32>} : memref<2048x1024xf32, #tpu.memory_space<vmem>>, vector<512x128xf32>,
    %lt3A_469 = arith.cmpf olt, %sub3A_465, %select_n3A_454 : vector<512x128xf32>
    %add3A_470 = arith.constant 512 : i32
    %add3A_471 = vector.broadcast %add3A_470 : i32 to vector<512x128xi32>
    %add3A_472 = arith.addi %iota3A_374, %add3A_471 : vector<512x128xi32>
    %select_n3A_473 = arith.select %lt3A_469, %add3A_472, %select_n3A_453 : vector<512x128xi1>, vector<512x128xi32>
    %select_n3A_474 = arith.select %lt3A_469, %sub3A_465, %select_n3A_454 : vector<512x128xi1>, vector<512x128xf32>
    %slice3A_475 = vector.extract_strided_slice %get3A_1 {offsets = [640, 0], sizes = [128, 32], strides = [1, 1]} : vector<1024x32xf32> to vector<128x32xf32>
    %dot_general3A_476 = arith.constant dense<0.000000e+00> : vector<512x128xf32>
    %dot_general3A_477 = tpu.matmul %get3A_365, %slice3A_475, %dot_general3A_476 {dimension_numbers = #tpu.dot_dimension_numbers<[1], [1], [0], [0], [0, 0, 1, 0], [], []>, transpose_lhs_hint = false} : vector<512x32xf32>, vector<128x32xf32>, vector<512x128xf32> -> vector<512x128xf32>
    %slice3A_478 = vector.extract_strided_slice %broadcast_in_dim3A {offsets = [0, 640], sizes = [1, 128], strides = [1, 1]} : vector<1x1024xf32> to vector<1x128xf32>
    %add3A_479 = vector.broadcast %broadcast_in_dim3A_369 : vector<512x1xf32> to vector<512x128xf32>
    %add3A_480 = vector.broadcast %slice3A_478 : vector<1x128xf32> to vector<512x128xf32>
    %add3A_481 = arith.addf %add3A_479, %add3A_480 : vector<512x128xf32>
    %mul3A_482 = arith.constant 2.000000e+00 : f32
    %mul3A_483 = vector.broadcast %mul3A_482 : f32 to vector<512x128xf32>
    %mul3A_484 = arith.mulf %mul3A_483, %dot_general3A_477 : vector<512x128xf32>
    %sub3A_485 = arith.subf %add3A_481, %mul3A_484 : vector<512x128xf32>
    %swap3A_486 = arith.constant 1024 : index
    %swap3A_487 = arith.constant 640 : index
    %swap3A_488 = vector.load %arg3[%swap3A_486, %swap3A_487] : memref<2048x1024xf32, #tpu.memory_space<vmem>>, vector<512x128xf32>
    tpu.vector_store %arg3[%swap3A_486, %swap3A_487], %sub3A_485 {strides = array<i32>} : memref<2048x1024xf32, #tpu.memory_space<vmem>>, vector<512x128xf32>,
    %lt3A_489 = arith.cmpf olt, %sub3A_485, %select_n3A_474 : vector<512x128xf32>
    %add3A_490 = arith.constant 640 : i32
    %add3A_491 = vector.broadcast %add3A_490 : i32 to vector<512x128xi32>
    %add3A_492 = arith.addi %iota3A_374, %add3A_491 : vector<512x128xi32>
    %select_n3A_493 = arith.select %lt3A_489, %add3A_492, %select_n3A_473 : vector<512x128xi1>, vector<512x128xi32>
    %select_n3A_494 = arith.select %lt3A_489, %sub3A_485, %select_n3A_474 : vector<512x128xi1>, vector<512x128xf32>
    %slice3A_495 = vector.extract_strided_slice %get3A_1 {offsets = [768, 0], sizes = [128, 32], strides = [1, 1]} : vector<1024x32xf32> to vector<128x32xf32>
    %dot_general3A_496 = arith.constant dense<0.000000e+00> : vector<512x128xf32>
    %dot_general3A_497 = tpu.matmul %get3A_365, %slice3A_495, %dot_general3A_496 {dimension_numbers = #tpu.dot_dimension_numbers<[1], [1], [0], [0], [0, 0, 1, 0], [], []>, transpose_lhs_hint = false} : vector<512x32xf32>, vector<128x32xf32>, vector<512x128xf32> -> vector<512x128xf32>
    %slice3A_498 = vector.extract_strided_slice %broadcast_in_dim3A {offsets = [0, 768], sizes = [1, 128], strides = [1, 1]} : vector<1x1024xf32> to vector<1x128xf32>
    %add3A_499 = vector.broadcast %broadcast_in_dim3A_369 : vector<512x1xf32> to vector<512x128xf32>
    %add3A_500 = vector.broadcast %slice3A_498 : vector<1x128xf32> to vector<512x128xf32>
    %add3A_501 = arith.addf %add3A_499, %add3A_500 : vector<512x128xf32>
    %mul3A_502 = arith.constant 2.000000e+00 : f32
    %mul3A_503 = vector.broadcast %mul3A_502 : f32 to vector<512x128xf32>
    %mul3A_504 = arith.mulf %mul3A_503, %dot_general3A_497 : vector<512x128xf32>
    %sub3A_505 = arith.subf %add3A_501, %mul3A_504 : vector<512x128xf32>
    %swap3A_506 = arith.constant 1024 : index
    %swap3A_507 = arith.constant 768 : index
    %swap3A_508 = vector.load %arg3[%swap3A_506, %swap3A_507] : memref<2048x1024xf32, #tpu.memory_space<vmem>>, vector<512x128xf32>
    tpu.vector_store %arg3[%swap3A_506, %swap3A_507], %sub3A_505 {strides = array<i32>} : memref<2048x1024xf32, #tpu.memory_space<vmem>>, vector<512x128xf32>,
    %lt3A_509 = arith.cmpf olt, %sub3A_505, %select_n3A_494 : vector<512x128xf32>
    %add3A_510 = arith.constant 768 : i32
    %add3A_511 = vector.broadcast %add3A_510 : i32 to vector<512x128xi32>
    %add3A_512 = arith.addi %iota3A_374, %add3A_511 : vector<512x128xi32>
    %select_n3A_513 = arith.select %lt3A_509, %add3A_512, %select_n3A_493 : vector<512x128xi1>, vector<512x128xi32>
    %select_n3A_514 = arith.select %lt3A_509, %sub3A_505, %select_n3A_494 : vector<512x128xi1>, vector<512x128xf32>
    %slice3A_515 = vector.extract_strided_slice %get3A_1 {offsets = [896, 0], sizes = [128, 32], strides = [1, 1]} : vector<1024x32xf32> to vector<128x32xf32>
    %dot_general3A_516 = arith.constant dense<0.000000e+00> : vector<512x128xf32>
    %dot_general3A_517 = tpu.matmul %get3A_365, %slice3A_515, %dot_general3A_516 {dimension_numbers = #tpu.dot_dimension_numbers<[1], [1], [0], [0], [0, 0, 1, 0], [], []>, transpose_lhs_hint = false} : vector<512x32xf32>, vector<128x32xf32>, vector<512x128xf32> -> vector<512x128xf32>
    %slice3A_518 = vector.extract_strided_slice %broadcast_in_dim3A {offsets = [0, 896], sizes = [1, 128], strides = [1, 1]} : vector<1x1024xf32> to vector<1x128xf32>
    %add3A_519 = vector.broadcast %broadcast_in_dim3A_369 : vector<512x1xf32> to vector<512x128xf32>
    %add3A_520 = vector.broadcast %slice3A_518 : vector<1x128xf32> to vector<512x128xf32>
    %add3A_521 = arith.addf %add3A_519, %add3A_520 : vector<512x128xf32>
    %mul3A_522 = arith.constant 2.000000e+00 : f32
    %mul3A_523 = vector.broadcast %mul3A_522 : f32 to vector<512x128xf32>
    %mul3A_524 = arith.mulf %mul3A_523, %dot_general3A_517 : vector<512x128xf32>
    %sub3A_525 = arith.subf %add3A_521, %mul3A_524 : vector<512x128xf32>
    %swap3A_526 = arith.constant 1024 : index
    %swap3A_527 = arith.constant 896 : index
    %swap3A_528 = vector.load %arg3[%swap3A_526, %swap3A_527] : memref<2048x1024xf32, #tpu.memory_space<vmem>>, vector<512x128xf32>
    tpu.vector_store %arg3[%swap3A_526, %swap3A_527], %sub3A_525 {strides = array<i32>} : memref<2048x1024xf32, #tpu.memory_space<vmem>>, vector<512x128xf32>,
    %lt3A_529 = arith.cmpf olt, %sub3A_525, %select_n3A_514 : vector<512x128xf32>
    %add3A_530 = arith.constant 896 : i32
    %add3A_531 = vector.broadcast %add3A_530 : i32 to vector<512x128xi32>
    %add3A_532 = arith.addi %iota3A_374, %add3A_531 : vector<512x128xi32>
    %select_n3A_533 = arith.select %lt3A_529, %add3A_532, %select_n3A_513 : vector<512x128xi1>, vector<512x128xi32>
    %select_n3A_534 = arith.select %lt3A_529, %sub3A_525, %select_n3A_514 : vector<512x128xi1>, vector<512x128xf32>
    %reduce_min3A_535 = arith.constant dense<0x7F800000> : vector<512xf32>
    %reduce_min3A_536 = vector.multi_reduction <minimumf>, %select_n3A_534, %reduce_min3A_535 [1] : vector<512x128xf32> to vector<512xf32>
    %broadcast_in_dim3A_537 = vector.shape_cast %reduce_min3A_536 : vector<512xf32> to vector<512x1xf32>
    %eq3A_538 = vector.broadcast %broadcast_in_dim3A_537 : vector<512x1xf32> to vector<512x128xf32>
    %eq3A_539 = arith.cmpf oeq, %select_n3A_534, %eq3A_538 : vector<512x128xf32>
    %jit3A_540 = arith.constant 1073741824 : i32
    %broadcast_in_dim3A_541 = vector.broadcast %jit3A_540 : i32 to vector<512x128xi32>
    %select_n3A_542 = arith.select %eq3A_539, %select_n3A_533, %broadcast_in_dim3A_541 : vector<512x128xi1>, vector<512x128xi32>
    %reduce_min3A_543 = arith.constant dense<2147483647> : vector<512xi32>
    %reduce_min3A_544 = vector.multi_reduction <minsi>, %select_n3A_542, %reduce_min3A_543 [1] : vector<512x128xi32> to vector<512xi32>
    %reshape3A_545 = vector.shape_cast %reduce_min3A_544 : vector<512xi32> to vector<4x128xi32>
    %swap3A_546 = arith.constant 8 : index
    %swap3A_547 = arith.constant 0 : index
    %swap3A_548 = vector.load %arg4[%swap3A_546, %swap3A_547] : memref<16x128xi32, #tpu.memory_space<vmem>>, vector<4x128xi32>
    tpu.vector_store %arg4[%swap3A_546, %swap3A_547], %reshape3A_545 {strides = array<i32>} : memref<16x128xi32, #tpu.memory_space<vmem>>, vector<4x128xi32>,
    %get3A_549 = arith.constant 1536 : index
    %get3A_550 = arith.constant 0 : index
    %get3A_551 = vector.load %arg1[%get3A_549, %get3A_550] : memref<2048x32xf32, #tpu.memory_space<vmem>>, vector<512x32xf32>
    %mul3A_552 = arith.mulf %get3A_551, %get3A_551 : vector<512x32xf32>
    %reduce_sum3A_553 = arith.constant dense<0.000000e+00> : vector<512xf32>
    %reduce_sum3A_554 = vector.multi_reduction <add>, %mul3A_552, %reduce_sum3A_553 [1] : vector<512x32xf32> to vector<512xf32>
    %broadcast_in_dim3A_555 = vector.shape_cast %reduce_sum3A_554 : vector<512xf32> to vector<512x1xf32>
    %broadcast_in_dim3A_556 = arith.constant 0x7F800000 : f32
    %broadcast_in_dim3A_557 = vector.broadcast %broadcast_in_dim3A_556 : f32 to vector<512x128xf32>
    %broadcast_in_dim3A_558 = arith.constant 0 : i32
    %broadcast_in_dim3A_559 = vector.broadcast %broadcast_in_dim3A_558 : i32 to vector<512x128xi32>
    %iota3A_560 = tpu.iota {dimensions = array<i32: 1>} : vector<512x128xi32>
    %slice3A_561 = vector.extract_strided_slice %get3A_1 {offsets = [0, 0], sizes = [128, 32], strides = [1, 1]} : vector<1024x32xf32> to vector<128x32xf32>
    %dot_general3A_562 = arith.constant dense<0.000000e+00> : vector<512x128xf32>
    %dot_general3A_563 = tpu.matmul %get3A_551, %slice3A_561, %dot_general3A_562 {dimension_numbers = #tpu.dot_dimension_numbers<[1], [1], [0], [0], [0, 0, 1, 0], [], []>, transpose_lhs_hint = false} : vector<512x32xf32>, vector<128x32xf32>, vector<512x128xf32> -> vector<512x128xf32>
    %slice3A_564 = vector.extract_strided_slice %broadcast_in_dim3A {offsets = [0, 0], sizes = [1, 128], strides = [1, 1]} : vector<1x1024xf32> to vector<1x128xf32>
    %add3A_565 = vector.broadcast %broadcast_in_dim3A_555 : vector<512x1xf32> to vector<512x128xf32>
    %add3A_566 = vector.broadcast %slice3A_564 : vector<1x128xf32> to vector<512x128xf32>
    %add3A_567 = arith.addf %add3A_565, %add3A_566 : vector<512x128xf32>
    %mul3A_568 = arith.constant 2.000000e+00 : f32
    %mul3A_569 = vector.broadcast %mul3A_568 : f32 to vector<512x128xf32>
    %mul3A_570 = arith.mulf %mul3A_569, %dot_general3A_563 : vector<512x128xf32>
    %sub3A_571 = arith.subf %add3A_567, %mul3A_570 : vector<512x128xf32>
    %swap3A_572 = arith.constant 1536 : index
    %swap3A_573 = arith.constant 0 : index
    %swap3A_574 = vector.load %arg3[%swap3A_572, %swap3A_573] : memref<2048x1024xf32, #tpu.memory_space<vmem>>, vector<512x128xf32>
    tpu.vector_store %arg3[%swap3A_572, %swap3A_573], %sub3A_571 {strides = array<i32>} : memref<2048x1024xf32, #tpu.memory_space<vmem>>, vector<512x128xf32>,
    %lt3A_575 = arith.cmpf olt, %sub3A_571, %broadcast_in_dim3A_557 : vector<512x128xf32>
    %add3A_576 = arith.constant 0 : i32
    %add3A_577 = vector.broadcast %add3A_576 : i32 to vector<512x128xi32>
    %add3A_578 = arith.addi %iota3A_560, %add3A_577 : vector<512x128xi32>
    %select_n3A_579 = arith.select %lt3A_575, %add3A_578, %broadcast_in_dim3A_559 : vector<512x128xi1>, vector<512x128xi32>
    %select_n3A_580 = arith.select %lt3A_575, %sub3A_571, %broadcast_in_dim3A_557 : vector<512x128xi1>, vector<512x128xf32>
    %slice3A_581 = vector.extract_strided_slice %get3A_1 {offsets = [128, 0], sizes = [128, 32], strides = [1, 1]} : vector<1024x32xf32> to vector<128x32xf32>
    %dot_general3A_582 = arith.constant dense<0.000000e+00> : vector<512x128xf32>
    %dot_general3A_583 = tpu.matmul %get3A_551, %slice3A_581, %dot_general3A_582 {dimension_numbers = #tpu.dot_dimension_numbers<[1], [1], [0], [0], [0, 0, 1, 0], [], []>, transpose_lhs_hint = false} : vector<512x32xf32>, vector<128x32xf32>, vector<512x128xf32> -> vector<512x128xf32>
    %slice3A_584 = vector.extract_strided_slice %broadcast_in_dim3A {offsets = [0, 128], sizes = [1, 128], strides = [1, 1]} : vector<1x1024xf32> to vector<1x128xf32>
    %add3A_585 = vector.broadcast %broadcast_in_dim3A_555 : vector<512x1xf32> to vector<512x128xf32>
    %add3A_586 = vector.broadcast %slice3A_584 : vector<1x128xf32> to vector<512x128xf32>
    %add3A_587 = arith.addf %add3A_585, %add3A_586 : vector<512x128xf32>
    %mul3A_588 = arith.constant 2.000000e+00 : f32
    %mul3A_589 = vector.broadcast %mul3A_588 : f32 to vector<512x128xf32>
    %mul3A_590 = arith.mulf %mul3A_589, %dot_general3A_583 : vector<512x128xf32>
    %sub3A_591 = arith.subf %add3A_587, %mul3A_590 : vector<512x128xf32>
    %swap3A_592 = arith.constant 1536 : index
    %swap3A_593 = arith.constant 128 : index
    %swap3A_594 = vector.load %arg3[%swap3A_592, %swap3A_593] : memref<2048x1024xf32, #tpu.memory_space<vmem>>, vector<512x128xf32>
    tpu.vector_store %arg3[%swap3A_592, %swap3A_593], %sub3A_591 {strides = array<i32>} : memref<2048x1024xf32, #tpu.memory_space<vmem>>, vector<512x128xf32>,
    %lt3A_595 = arith.cmpf olt, %sub3A_591, %select_n3A_580 : vector<512x128xf32>
    %add3A_596 = arith.constant 128 : i32
    %add3A_597 = vector.broadcast %add3A_596 : i32 to vector<512x128xi32>
    %add3A_598 = arith.addi %iota3A_560, %add3A_597 : vector<512x128xi32>
    %select_n3A_599 = arith.select %lt3A_595, %add3A_598, %select_n3A_579 : vector<512x128xi1>, vector<512x128xi32>
    %select_n3A_600 = arith.select %lt3A_595, %sub3A_591, %select_n3A_580 : vector<512x128xi1>, vector<512x128xf32>
    %slice3A_601 = vector.extract_strided_slice %get3A_1 {offsets = [256, 0], sizes = [128, 32], strides = [1, 1]} : vector<1024x32xf32> to vector<128x32xf32>
    %dot_general3A_602 = arith.constant dense<0.000000e+00> : vector<512x128xf32>
    %dot_general3A_603 = tpu.matmul %get3A_551, %slice3A_601, %dot_general3A_602 {dimension_numbers = #tpu.dot_dimension_numbers<[1], [1], [0], [0], [0, 0, 1, 0], [], []>, transpose_lhs_hint = false} : vector<512x32xf32>, vector<128x32xf32>, vector<512x128xf32> -> vector<512x128xf32>
    %slice3A_604 = vector.extract_strided_slice %broadcast_in_dim3A {offsets = [0, 256], sizes = [1, 128], strides = [1, 1]} : vector<1x1024xf32> to vector<1x128xf32>
    %add3A_605 = vector.broadcast %broadcast_in_dim3A_555 : vector<512x1xf32> to vector<512x128xf32>
    %add3A_606 = vector.broadcast %slice3A_604 : vector<1x128xf32> to vector<512x128xf32>
    %add3A_607 = arith.addf %add3A_605, %add3A_606 : vector<512x128xf32>
    %mul3A_608 = arith.constant 2.000000e+00 : f32
    %mul3A_609 = vector.broadcast %mul3A_608 : f32 to vector<512x128xf32>
    %mul3A_610 = arith.mulf %mul3A_609, %dot_general3A_603 : vector<512x128xf32>
    %sub3A_611 = arith.subf %add3A_607, %mul3A_610 : vector<512x128xf32>
    %swap3A_612 = arith.constant 1536 : index
    %swap3A_613 = arith.constant 256 : index
    %swap3A_614 = vector.load %arg3[%swap3A_612, %swap3A_613] : memref<2048x1024xf32, #tpu.memory_space<vmem>>, vector<512x128xf32>
    tpu.vector_store %arg3[%swap3A_612, %swap3A_613], %sub3A_611 {strides = array<i32>} : memref<2048x1024xf32, #tpu.memory_space<vmem>>, vector<512x128xf32>,
    %lt3A_615 = arith.cmpf olt, %sub3A_611, %select_n3A_600 : vector<512x128xf32>
    %add3A_616 = arith.constant 256 : i32
    %add3A_617 = vector.broadcast %add3A_616 : i32 to vector<512x128xi32>
    %add3A_618 = arith.addi %iota3A_560, %add3A_617 : vector<512x128xi32>
    %select_n3A_619 = arith.select %lt3A_615, %add3A_618, %select_n3A_599 : vector<512x128xi1>, vector<512x128xi32>
    %select_n3A_620 = arith.select %lt3A_615, %sub3A_611, %select_n3A_600 : vector<512x128xi1>, vector<512x128xf32>
    %slice3A_621 = vector.extract_strided_slice %get3A_1 {offsets = [384, 0], sizes = [128, 32], strides = [1, 1]} : vector<1024x32xf32> to vector<128x32xf32>
    %dot_general3A_622 = arith.constant dense<0.000000e+00> : vector<512x128xf32>
    %dot_general3A_623 = tpu.matmul %get3A_551, %slice3A_621, %dot_general3A_622 {dimension_numbers = #tpu.dot_dimension_numbers<[1], [1], [0], [0], [0, 0, 1, 0], [], []>, transpose_lhs_hint = false} : vector<512x32xf32>, vector<128x32xf32>, vector<512x128xf32> -> vector<512x128xf32>
    %slice3A_624 = vector.extract_strided_slice %broadcast_in_dim3A {offsets = [0, 384], sizes = [1, 128], strides = [1, 1]} : vector<1x1024xf32> to vector<1x128xf32>
    %add3A_625 = vector.broadcast %broadcast_in_dim3A_555 : vector<512x1xf32> to vector<512x128xf32>
    %add3A_626 = vector.broadcast %slice3A_624 : vector<1x128xf32> to vector<512x128xf32>
    %add3A_627 = arith.addf %add3A_625, %add3A_626 : vector<512x128xf32>
    %mul3A_628 = arith.constant 2.000000e+00 : f32
    %mul3A_629 = vector.broadcast %mul3A_628 : f32 to vector<512x128xf32>
    %mul3A_630 = arith.mulf %mul3A_629, %dot_general3A_623 : vector<512x128xf32>
    %sub3A_631 = arith.subf %add3A_627, %mul3A_630 : vector<512x128xf32>
    %swap3A_632 = arith.constant 1536 : index
    %swap3A_633 = arith.constant 384 : index
    %swap3A_634 = vector.load %arg3[%swap3A_632, %swap3A_633] : memref<2048x1024xf32, #tpu.memory_space<vmem>>, vector<512x128xf32>
    tpu.vector_store %arg3[%swap3A_632, %swap3A_633], %sub3A_631 {strides = array<i32>} : memref<2048x1024xf32, #tpu.memory_space<vmem>>, vector<512x128xf32>,
    %lt3A_635 = arith.cmpf olt, %sub3A_631, %select_n3A_620 : vector<512x128xf32>
    %add3A_636 = arith.constant 384 : i32
    %add3A_637 = vector.broadcast %add3A_636 : i32 to vector<512x128xi32>
    %add3A_638 = arith.addi %iota3A_560, %add3A_637 : vector<512x128xi32>
    %select_n3A_639 = arith.select %lt3A_635, %add3A_638, %select_n3A_619 : vector<512x128xi1>, vector<512x128xi32>
    %select_n3A_640 = arith.select %lt3A_635, %sub3A_631, %select_n3A_620 : vector<512x128xi1>, vector<512x128xf32>
    %slice3A_641 = vector.extract_strided_slice %get3A_1 {offsets = [512, 0], sizes = [128, 32], strides = [1, 1]} : vector<1024x32xf32> to vector<128x32xf32>
    %dot_general3A_642 = arith.constant dense<0.000000e+00> : vector<512x128xf32>
    %dot_general3A_643 = tpu.matmul %get3A_551, %slice3A_641, %dot_general3A_642 {dimension_numbers = #tpu.dot_dimension_numbers<[1], [1], [0], [0], [0, 0, 1, 0], [], []>, transpose_lhs_hint = false} : vector<512x32xf32>, vector<128x32xf32>, vector<512x128xf32> -> vector<512x128xf32>
    %slice3A_644 = vector.extract_strided_slice %broadcast_in_dim3A {offsets = [0, 512], sizes = [1, 128], strides = [1, 1]} : vector<1x1024xf32> to vector<1x128xf32>
    %add3A_645 = vector.broadcast %broadcast_in_dim3A_555 : vector<512x1xf32> to vector<512x128xf32>
    %add3A_646 = vector.broadcast %slice3A_644 : vector<1x128xf32> to vector<512x128xf32>
    %add3A_647 = arith.addf %add3A_645, %add3A_646 : vector<512x128xf32>
    %mul3A_648 = arith.constant 2.000000e+00 : f32
    %mul3A_649 = vector.broadcast %mul3A_648 : f32 to vector<512x128xf32>
    %mul3A_650 = arith.mulf %mul3A_649, %dot_general3A_643 : vector<512x128xf32>
    %sub3A_651 = arith.subf %add3A_647, %mul3A_650 : vector<512x128xf32>
    %swap3A_652 = arith.constant 1536 : index
    %swap3A_653 = arith.constant 512 : index
    %swap3A_654 = vector.load %arg3[%swap3A_652, %swap3A_653] : memref<2048x1024xf32, #tpu.memory_space<vmem>>, vector<512x128xf32>
    tpu.vector_store %arg3[%swap3A_652, %swap3A_653], %sub3A_651 {strides = array<i32>} : memref<2048x1024xf32, #tpu.memory_space<vmem>>, vector<512x128xf32>,
    %lt3A_655 = arith.cmpf olt, %sub3A_651, %select_n3A_640 : vector<512x128xf32>
    %add3A_656 = arith.constant 512 : i32
    %add3A_657 = vector.broadcast %add3A_656 : i32 to vector<512x128xi32>
    %add3A_658 = arith.addi %iota3A_560, %add3A_657 : vector<512x128xi32>
    %select_n3A_659 = arith.select %lt3A_655, %add3A_658, %select_n3A_639 : vector<512x128xi1>, vector<512x128xi32>
    %select_n3A_660 = arith.select %lt3A_655, %sub3A_651, %select_n3A_640 : vector<512x128xi1>, vector<512x128xf32>
    %slice3A_661 = vector.extract_strided_slice %get3A_1 {offsets = [640, 0], sizes = [128, 32], strides = [1, 1]} : vector<1024x32xf32> to vector<128x32xf32>
    %dot_general3A_662 = arith.constant dense<0.000000e+00> : vector<512x128xf32>
    %dot_general3A_663 = tpu.matmul %get3A_551, %slice3A_661, %dot_general3A_662 {dimension_numbers = #tpu.dot_dimension_numbers<[1], [1], [0], [0], [0, 0, 1, 0], [], []>, transpose_lhs_hint = false} : vector<512x32xf32>, vector<128x32xf32>, vector<512x128xf32> -> vector<512x128xf32>
    %slice3A_664 = vector.extract_strided_slice %broadcast_in_dim3A {offsets = [0, 640], sizes = [1, 128], strides = [1, 1]} : vector<1x1024xf32> to vector<1x128xf32>
    %add3A_665 = vector.broadcast %broadcast_in_dim3A_555 : vector<512x1xf32> to vector<512x128xf32>
    %add3A_666 = vector.broadcast %slice3A_664 : vector<1x128xf32> to vector<512x128xf32>
    %add3A_667 = arith.addf %add3A_665, %add3A_666 : vector<512x128xf32>
    %mul3A_668 = arith.constant 2.000000e+00 : f32
    %mul3A_669 = vector.broadcast %mul3A_668 : f32 to vector<512x128xf32>
    %mul3A_670 = arith.mulf %mul3A_669, %dot_general3A_663 : vector<512x128xf32>
    %sub3A_671 = arith.subf %add3A_667, %mul3A_670 : vector<512x128xf32>
    %swap3A_672 = arith.constant 1536 : index
    %swap3A_673 = arith.constant 640 : index
    %swap3A_674 = vector.load %arg3[%swap3A_672, %swap3A_673] : memref<2048x1024xf32, #tpu.memory_space<vmem>>, vector<512x128xf32>
    tpu.vector_store %arg3[%swap3A_672, %swap3A_673], %sub3A_671 {strides = array<i32>} : memref<2048x1024xf32, #tpu.memory_space<vmem>>, vector<512x128xf32>,
    %lt3A_675 = arith.cmpf olt, %sub3A_671, %select_n3A_660 : vector<512x128xf32>
    %add3A_676 = arith.constant 640 : i32
    %add3A_677 = vector.broadcast %add3A_676 : i32 to vector<512x128xi32>
    %add3A_678 = arith.addi %iota3A_560, %add3A_677 : vector<512x128xi32>
    %select_n3A_679 = arith.select %lt3A_675, %add3A_678, %select_n3A_659 : vector<512x128xi1>, vector<512x128xi32>
    %select_n3A_680 = arith.select %lt3A_675, %sub3A_671, %select_n3A_660 : vector<512x128xi1>, vector<512x128xf32>
    %slice3A_681 = vector.extract_strided_slice %get3A_1 {offsets = [768, 0], sizes = [128, 32], strides = [1, 1]} : vector<1024x32xf32> to vector<128x32xf32>
    %dot_general3A_682 = arith.constant dense<0.000000e+00> : vector<512x128xf32>
    %dot_general3A_683 = tpu.matmul %get3A_551, %slice3A_681, %dot_general3A_682 {dimension_numbers = #tpu.dot_dimension_numbers<[1], [1], [0], [0], [0, 0, 1, 0], [], []>, transpose_lhs_hint = false} : vector<512x32xf32>, vector<128x32xf32>, vector<512x128xf32> -> vector<512x128xf32>
    %slice3A_684 = vector.extract_strided_slice %broadcast_in_dim3A {offsets = [0, 768], sizes = [1, 128], strides = [1, 1]} : vector<1x1024xf32> to vector<1x128xf32>
    %add3A_685 = vector.broadcast %broadcast_in_dim3A_555 : vector<512x1xf32> to vector<512x128xf32>
    %add3A_686 = vector.broadcast %slice3A_684 : vector<1x128xf32> to vector<512x128xf32>
    %add3A_687 = arith.addf %add3A_685, %add3A_686 : vector<512x128xf32>
    %mul3A_688 = arith.constant 2.000000e+00 : f32
    %mul3A_689 = vector.broadcast %mul3A_688 : f32 to vector<512x128xf32>
    %mul3A_690 = arith.mulf %mul3A_689, %dot_general3A_683 : vector<512x128xf32>
    %sub3A_691 = arith.subf %add3A_687, %mul3A_690 : vector<512x128xf32>
    %swap3A_692 = arith.constant 1536 : index
    %swap3A_693 = arith.constant 768 : index
    %swap3A_694 = vector.load %arg3[%swap3A_692, %swap3A_693] : memref<2048x1024xf32, #tpu.memory_space<vmem>>, vector<512x128xf32>
    tpu.vector_store %arg3[%swap3A_692, %swap3A_693], %sub3A_691 {strides = array<i32>} : memref<2048x1024xf32, #tpu.memory_space<vmem>>, vector<512x128xf32>,
    %lt3A_695 = arith.cmpf olt, %sub3A_691, %select_n3A_680 : vector<512x128xf32>
    %add3A_696 = arith.constant 768 : i32
    %add3A_697 = vector.broadcast %add3A_696 : i32 to vector<512x128xi32>
    %add3A_698 = arith.addi %iota3A_560, %add3A_697 : vector<512x128xi32>
    %select_n3A_699 = arith.select %lt3A_695, %add3A_698, %select_n3A_679 : vector<512x128xi1>, vector<512x128xi32>
    %select_n3A_700 = arith.select %lt3A_695, %sub3A_691, %select_n3A_680 : vector<512x128xi1>, vector<512x128xf32>
    %slice3A_701 = vector.extract_strided_slice %get3A_1 {offsets = [896, 0], sizes = [128, 32], strides = [1, 1]} : vector<1024x32xf32> to vector<128x32xf32>
    %dot_general3A_702 = arith.constant dense<0.000000e+00> : vector<512x128xf32>
    %dot_general3A_703 = tpu.matmul %get3A_551, %slice3A_701, %dot_general3A_702 {dimension_numbers = #tpu.dot_dimension_numbers<[1], [1], [0], [0], [0, 0, 1, 0], [], []>, transpose_lhs_hint = false} : vector<512x32xf32>, vector<128x32xf32>, vector<512x128xf32> -> vector<512x128xf32>
    %slice3A_704 = vector.extract_strided_slice %broadcast_in_dim3A {offsets = [0, 896], sizes = [1, 128], strides = [1, 1]} : vector<1x1024xf32> to vector<1x128xf32>
    %add3A_705 = vector.broadcast %broadcast_in_dim3A_555 : vector<512x1xf32> to vector<512x128xf32>
    %add3A_706 = vector.broadcast %slice3A_704 : vector<1x128xf32> to vector<512x128xf32>
    %add3A_707 = arith.addf %add3A_705, %add3A_706 : vector<512x128xf32>
    %mul3A_708 = arith.constant 2.000000e+00 : f32
    %mul3A_709 = vector.broadcast %mul3A_708 : f32 to vector<512x128xf32>
    %mul3A_710 = arith.mulf %mul3A_709, %dot_general3A_703 : vector<512x128xf32>
    %sub3A_711 = arith.subf %add3A_707, %mul3A_710 : vector<512x128xf32>
    %swap3A_712 = arith.constant 1536 : index
    %swap3A_713 = arith.constant 896 : index
    %swap3A_714 = vector.load %arg3[%swap3A_712, %swap3A_713] : memref<2048x1024xf32, #tpu.memory_space<vmem>>, vector<512x128xf32>
    tpu.vector_store %arg3[%swap3A_712, %swap3A_713], %sub3A_711 {strides = array<i32>} : memref<2048x1024xf32, #tpu.memory_space<vmem>>, vector<512x128xf32>,
    %lt3A_715 = arith.cmpf olt, %sub3A_711, %select_n3A_700 : vector<512x128xf32>
    %add3A_716 = arith.constant 896 : i32
    %add3A_717 = vector.broadcast %add3A_716 : i32 to vector<512x128xi32>
    %add3A_718 = arith.addi %iota3A_560, %add3A_717 : vector<512x128xi32>
    %select_n3A_719 = arith.select %lt3A_715, %add3A_718, %select_n3A_699 : vector<512x128xi1>, vector<512x128xi32>
    %select_n3A_720 = arith.select %lt3A_715, %sub3A_711, %select_n3A_700 : vector<512x128xi1>, vector<512x128xf32>
    %reduce_min3A_721 = arith.constant dense<0x7F800000> : vector<512xf32>
    %reduce_min3A_722 = vector.multi_reduction <minimumf>, %select_n3A_720, %reduce_min3A_721 [1] : vector<512x128xf32> to vector<512xf32>
    %broadcast_in_dim3A_723 = vector.shape_cast %reduce_min3A_722 : vector<512xf32> to vector<512x1xf32>
    %eq3A_724 = vector.broadcast %broadcast_in_dim3A_723 : vector<512x1xf32> to vector<512x128xf32>
    %eq3A_725 = arith.cmpf oeq, %select_n3A_720, %eq3A_724 : vector<512x128xf32>
    %jit3A_726 = arith.constant 1073741824 : i32
    %broadcast_in_dim3A_727 = vector.broadcast %jit3A_726 : i32 to vector<512x128xi32>
    %select_n3A_728 = arith.select %eq3A_725, %select_n3A_719, %broadcast_in_dim3A_727 : vector<512x128xi1>, vector<512x128xi32>
    %reduce_min3A_729 = arith.constant dense<2147483647> : vector<512xi32>
    %reduce_min3A_730 = vector.multi_reduction <minsi>, %select_n3A_728, %reduce_min3A_729 [1] : vector<512x128xi32> to vector<512xi32>
    %reshape3A_731 = vector.shape_cast %reduce_min3A_730 : vector<512xi32> to vector<4x128xi32>
    %swap3A_732 = arith.constant 12 : index
    %swap3A_733 = arith.constant 0 : index
    %swap3A_734 = vector.load %arg4[%swap3A_732, %swap3A_733] : memref<16x128xi32, #tpu.memory_space<vmem>>, vector<4x128xi32>
    tpu.vector_store %arg4[%swap3A_732, %swap3A_733], %reshape3A_731 {strides = array<i32>} : memref<16x128xi32, #tpu.memory_space<vmem>>, vector<4x128xi32>,
    return
  }
  func.func @transform_0(%arg0: i32) -> (i32, i32) {
    %c0_i32 = arith.constant 0 : i32
    %c0_i32_0 = arith.constant 0 : i32
    return %arg0, %c0_i32 : i32, i32
  }
  func.func @transform_1(%arg0: i32) -> (i32, i32) {
    %c0_i32 = arith.constant 0 : i32
    %c0_i32_0 = arith.constant 0 : i32
    %c0_i32_1 = arith.constant 0 : i32
    return %c0_i32, %c0_i32_0 : i32, i32
  }
  func.func @transform_2(%arg0: i32) -> (i32, i32) {
    %c0_i32 = arith.constant 0 : i32
    %c0_i32_0 = arith.constant 0 : i32
    return %arg0, %c0_i32 : i32, i32
  }
  func.func @transform_3(%arg0: i32) -> (i32, i32) {
    %c0_i32 = arith.constant 0 : i32
    %c0_i32_0 = arith.constant 0 : i32
    return %arg0, %c0_i32 : i32, i32
  }
}

</mosaic_0001>

<sc_bundles>
// kernel: kernel.4.cloned.1.call-start
scs
__scs_entry_jumppad:
0x0: {  	(pc) =	sbr.rel $0x88, $3  }
0x1: {  	(tag) =	ssettag $0x0;
	lr =	simm.s32 $0x1  }
0x2: {  	[smem:$0x3F9F] =	sst lr;
	_ =	strace $0xD0000000  }
0x3: {  	_ = 	snop  }
0x4: {  	_ = 	snop  }
0x5: {  	_ = 	snop  }
0x6: {  	_ = 	snop  }
0x7: {  	_ = 	snop  }
__scs_overlays_trampoline_lowered:
0x8: {  	[smem:$0x3FAE] =	sst s0  }
0x9: {  	[smem:$0x3FAF] =	sst s1  }
0xa: {  	[smem:$0x3FB0] =	sst s2  }
0xb: {  	[smem:$0x3FB1] =	sst s3  }
0xc: {  	[smem:$0x3FB2] =	sst s4  }
0xd: {  	[smem:$0x3FB3] =	sst s5  }
0xe: {  	[smem:$0x3FB4] =	sst s6  }
0xf: {  	[smem:$0x3FB5] =	sst s7  }
0x10: {  	[smem:$0x3FB6] =	sst s8  }
0x11: {  	[smem:$0x3FB7] =	sst s9;
	s0 =	simm.s32 @!p0 $0x0  }
0x12: {  	s1 =	sld [smem:$0x3F9D];
	s0 =	simm.s32 @p0 $0x1  }
0x13: {  	[smem:$0x3FB8] =	sst s0;
	s0 =	simm.s32 @!p1 $0x0  }
0x14: {  	s2 =	sld [smem:$0x3F9C];
	s0 =	simm.s32 @p1 $0x1  }
0x15: {  	[smem:$0x3FB9] =	sst s0;
	s0 =	simm.s32 @!p2 $0x0  }
0x16: {  	s3 =	sld [smem:$0x3FDB];
	s0 =	simm.s32 @p2 $0x1  }
0x17: {  	s4 =	simm.s32 $0x1BF5;
	[smem:$0x3FBB] =	sst s0  }
0x18: {  	s0 =	sld [smem:$0x3F9E];
	_ =	swait.ge [sflag:s4], $0x0  }
0x19: {  	s7 =	sld [smem:$0x3F9F]  }
0x1a: {  	s8 =	sadd.s32 $0xFFFFE003, lr  }
0x1b: {  	s9 =	sadd.s32 $0xFFFFFEF7, lr;
	s5 =	simm.s32 $0xFFFFFFFF;
	p2 =	slt.u32 s8, $0xFFFFF086  }
0x1c: {  	p1 =	slt.u32 s9, $0xF7A;
	s5 =	simm.s32 @!p2 $0x0  }
0x1d: {  	s5 =	simm.s32 @p1 $0x1;
	p0 =	seq.s32 s7, s2  }
0x1e: {  	s7 =	smul.u32 @!p0 $0xF7A, s2;
	p2 =	seq.s32 @!p0 s5, $0x0  }
0x1f: {  	s9 =	smul.u32 $0xF7A, s1;
	s8 =	simm.s32 @!p0 $0x1BF5;
	p2 =	por !p2, p0  }
0x20: {  	[sflag:s8] =	ssyncset.s32 @!p0 $0xFFFFF086;
	s6 =	sadd.s32 @!p0 s3, s7;
	s7 =	simm.s32 @!p0 $0x108  }
0x21: {  	s3 =	sadd.s32 s3, s9;
	s6 =	sadd.s32 @!p0 $0x88, s6;
	s7 =	simm.s32 @p2 $0x1082  }
0x22: {  	[simem:s7], [sflag:s8] =	dma.local @!p0 [hbm:s6], $0xF7A  }
0x23: {  	s9 =	sor.u32 $0xD0000000, s2;
	s6 =	simm.s32 $0x108;
	_ =	swait.ge @!p0 [sflag:s8], $0x0  }
0x24: {  	s3 =	sadd.s32 $0x88, s3;
	s6 =	simm.s32 @!p1 $0x1082;
	[sflag:s4] =	ssyncset.s32 $0xFFFFF086  }
0x25: {  	[simem:s6], [sflag:s4] =	dma.local [hbm:s3], $0xF7A  }
0x26: {  	[smem:$0x3F9F] =	sst s1;
	(tag) =	ssettag s2;
	_ =	strace s9  }
0x27: {  	s1 =	sld [smem:$0x3FAF]  }
0x28: {  	s2 =	sld [smem:$0x3FB0]  }
0x29: {  	s4 =	sld [smem:$0x3FB2]  }
0x2a: {  	p0 =	seq.s32 s5, $0x0;
	s5 =	sld [smem:$0x3FB3]  }
0x2b: {  	s6 =	sld [smem:$0x3FB4]  }
0x2c: {  	s7 =	sld [smem:$0x3FB5]  }
0x2d: {  	s3 =	simm.s32 $0x108;
	s8 =	sld [smem:$0x3FB6]  }
0x2e: {  	s3 =	simm.s32 @!p0 $0x1082;
	s9 =	sld [smem:$0x3FB7]  }
0x2f: {  	lr =	sadd.s32 s0, s3;
	s0 =	sld [smem:$0x3FAE]  }
0x30: {  	s3 =	sld [smem:$0x3FB1]  }
0x31: {  	[smem:$0x3FBA] =	sst s10  }
0x32: {  	s10 =	sld [smem:$0x3FB8];
	_ =	sdelay $0x3  }
0x33: {  	p0 =	seq.s32 s10, $0x1;
	s10 =	sld [smem:$0x3FBA];
	_ =	sdelay $0x3  }
0x34: {  	[smem:$0x3FBA] =	sst s10  }
0x35: {  	s10 =	sld [smem:$0x3FB9];
	_ =	sdelay $0x3  }
0x36: {  	p1 =	seq.s32 s10, $0x1;
	s10 =	sld [smem:$0x3FBA];
	_ =	sdelay $0x3  }
0x37: {  	[smem:$0x3FBA] =	sst s10  }
0x38: {  	s10 =	sld [smem:$0x3FBB]  }
0x39: {  	_ = 	snop;
	(pc) =	sbr.ind lr, $3  }
0x3a: {  	_ = 	snop  }
0x3b: {  	_ = 	snop  }
0x3c: {  	p2 =	seq.s32 s10, $0x1;
	s10 =	sld [smem:$0x3FBA]  }
0x3d: {  	_ =	shalt  }
0x3e: {  	_ =	shalt  }
0x3f: {  	_ =	shalt  }
0x40: {  	_ =	shalt  }
0x41: {  	_ =	shalt  }
0x42: {  	_ =	shalt  }
0x43: {  	_ =	shalt  }
0x44: {  	_ =	shalt  }
0x45: {  	_ =	shalt  }
0x46: {  	_ =	shalt  }
0x47: {  	_ =	shalt  }
0x48: {  	_ =	shalt  }
0x49: {  	_ =	shalt  }
0x4a: {  	_ =	shalt  }
0x4b: {  	_ =	shalt  }
0x4c: {  	_ =	shalt  }
0x4d: {  	_ =	shalt  }
0x4e: {  	_ =	shalt  }
0x4f: {  	_ =	shalt  }
0x50: {  	_ =	shalt  }
0x51: {  	_ =	shalt  }
0x52: {  	_ =	shalt  }
0x53: {  	_ =	shalt  }
0x54: {  	_ =	shalt  }
0x55: {  	_ =	shalt  }
0x56: {  	_ =	shalt  }
0x57: {  	_ =	shalt  }
0x58: {  	_ =	shalt  }
0x59: {  	_ =	shalt  }
0x5a: {  	_ =	shalt  }
0x5b: {  	_ =	shalt  }
0x5c: {  	_ =	shalt  }
0x5d: {  	_ =	shalt  }
0x5e: {  	_ =	shalt  }
0x5f: {  	_ =	shalt  }
0x60: {  	_ =	shalt  }
0x61: {  	_ =	shalt  }
0x62: {  	_ =	shalt  }
0x63: {  	_ =	shalt  }
0x64: {  	_ =	shalt  }
0x65: {  	_ =	shalt  }
0x66: {  	_ =	shalt  }
0x67: {  	_ =	shalt  }
0x68: {  	_ =	shalt  }
0x69: {  	_ =	shalt  }
0x6a: {  	_ =	shalt  }
0x6b: {  	_ =	shalt  }
0x6c: {  	_ =	shalt  }
0x6d: {  	_ =	shalt  }
0x6e: {  	_ =	shalt  }
0x6f: {  	_ =	shalt  }
0x70: {  	_ =	shalt  }
0x71: {  	_ =	shalt  }
0x72: {  	_ =	shalt  }
0x73: {  	_ =	shalt  }
0x74: {  	_ =	shalt  }
0x75: {  	_ =	shalt  }
0x76: {  	_ =	shalt  }
0x77: {  	_ =	shalt  }
0x78: {  	_ =	shalt  }
0x79: {  	_ =	shalt  }
0x7a: {  	_ =	shalt  }
0x7b: {  	_ =	shalt  }
0x7c: {  	_ =	shalt  }
0x7d: {  	_ =	shalt  }
0x7e: {  	_ =	shalt  }
0x7f: {  	_ =	shalt  }
0x80: {  	_ =	shalt  }
0x81: {  	_ =	shalt  }
0x82: {  	_ =	shalt  }
0x83: {  	_ =	shalt  }
0x84: {  	_ =	shalt  }
0x85: {  	_ =	shalt  }
0x86: {  	_ =	shalt  }
0x87: {  	_ =	shalt  }
.Lfunc_end0:
.L_simem_size_0:
called_computation_lowered:
.L_overlay_start_0:
0x88: {  	s2 =	sld [smem:$0x3FD9]  }
0x89: {  	s3 =	sld [smem:$0x3FFE];
	_ =	sdelay $0x1  }
0x8a: {  	s1 =	srdreg.scid  }
0x8b: {  	s0 =	sand.u32 $0x1, s1  }
0x8c: {  	s14 =	sshll.u32 s0, $0xA;
	s2 =	sadd.s32 s3, s2  }
0x8d: {  	s2 =	sadd.s32 s2, s14  }
0x8e: {  	[smem:$0x3FC6] =	sst s2  }
0x8f: {  	_ = 	snop  }
0x90: {  	s2 =	sld [smem:$0x3FD0];
	_ =	sdelay $0x2  }
0x91: {  	s15 =	simm.s32 $0xA;
	s4 =	simm.s32 $0x10  }
0x92: {  	[smem:s4], [sflag:s15] =	dma.local [hbm:s2], $0x1  }
0x93: {  	_ =	swait.eq [sflag:s15], $0x1  }
0x94: {  	[sflag:s15] =	ssyncset.done $0x0  }
0x95: {  	s16 =	sld [smem:$0x10];
	[sflag:s15] =	ssyncadd.s32 $0xFFFFFFFF  }
0x96: {  	s17 =	sld [smem:$0x11];
	(tm) =	ssettm $0x1  }
0x97: {  	s18 =	sld [smem:$0x3FFB];
	_ =	sdelay $0x3  }
0x98: {  	_ =	strace s18  }
0x99: {  	s4 =	sld [smem:$0x3FFC];
	_ =	sdelay $0x3  }
0x9a: {  	_ =	strace s4  }
0x9b: {  	s4 =	sld [smem:$0x3FFD];
	_ =	sdelay $0x3  }
0x9c: {  	_ =	strace s4  }
0x9d: {  	_ =	strace $0x8FFFFFFF  }
0x9e: {  	s19 =	sld [smem:$0x3FDB];
	_ =	sdelay $0x1  }
0x9f: {  	s5 =	simm.s32 $_scs_section_size  }
0xa0: {  	s6 =	simm.s32 $_size__tile_overlayer_lowered;
	s7 =	simm.s32 $_tile_overlayer_lowered  }
0xa1: {  	s22 =	simm.s32 $0x1BFF;
	s21 =	sshll.u32 s7, $0x1;
	s4 =	sadd.s32 s5, s19  }
0xa2: {  	s8 =	simm.s32 $0x0;
	s20 =	sshll.u32 s6, $0x1;
	s6 =	sadd.s32 s21, s4  }
0xa3: {  	[timem:s8], [sflag:s22] =	dma.local [hbm:s6], s20  }
0xa4: {  	_ =	swait.ge [sflag:s22], s20  }
0xa5: {  	s5 =	ssub.s32 $0x0, s20;
	[sflag:s22] =	ssyncset.done $0x0  }
0xa6: {  	[sflag:s22] =	ssyncadd.s32 s5;
	_ =	sdelay $0x1  }
0xa7: {  	s23 =	simm.s32 $0x1B8B  }
0xa8: {  	_ =	swait.ge [sflag:s23], $0x1  }
0xa9: {  	[sflag:s23] =	ssyncset.done $0x0  }
0xaa: {  	s25 =	simm.s32 $0x1B8E;
	s24 =	sld [smem:$0x3FFE];
	[sflag:s23] =	ssyncadd.s32 $0xFFFFFFFF  }
0xab: {  	s26 =	simm.s32 $execute0_lowered;
	[smem:$0x3FD2] =	sst s25  }
0xac: {  	s6 =	sshll.u32 s26, $0x1;
	_ =	strace $0x80000046;
	[dreg:$0x1] =	wrdreg $0xFFFFFFFF  }
0xad: {  	s28 =	simm.s32 $_size_execute0_lowered;
	s4 =	sadd.s32 s4, s6;
	[dreg:$0x0] =	wrdreg $0x0  }
0xae: {  	s6 =	sshll.u32 s28, $0x1;
	[dreg:$0x2] =	wrdreg s4  }
0xaf: {  	[dreg:$0x3] =	wrdreg s6  }
0xb0: {  	[dreg:$0x4] =	wrdreg $0xC0  }
0xb1: {  	_ =	task [dreg:s8], $0x5FFFF  }
0xb2: {  	[dreg:$0x1] =	wrdreg $0xFFFFFFFF  }
0xb3: {  	[dreg:$0x0] =	wrdreg $0x60  }
0xb4: {  	[dreg:$0x2] =	wrdreg s24  }
0xb5: {  	[dreg:$0x3] =	wrdreg s17  }
0xb6: {  	[dreg:$0x4] =	wrdreg s16  }
0xb7: {  	[dreg:$0x5] =	wrdreg $0x9  }
0xb8: {  	_ =	task.clear_ibuf [dreg:s8], $0x6FFFF;
	_ =	strace $0x90000046  }
0xb9: {  	s29 =	simm.s32 $0x9;
	_ =	strace $0x80000048  }
0xba: {  	_ =	swait.ge [sflag:s29], $0x1  }
0xbb: {  	[sflag:s29] =	ssyncadd.s32 $0xFFFFFFFF  }
0xbc: {  	_ =	strace $0x90000048  }
0xbd: {  	_ =	sfence  }
0xbe: {  	s30 =	sld [smem:$0x0];
	_ =	sdelay $0x2  }
0xbf: {  	s31 =	sshll.u32 s1, $0xD;
	s1 =	sshrl.u32 s1, $0x2  }
0xc0: {  	s3 =	sand.u32 $0x4000, s31;
	s1 =	sadd.s32 s1, s30  }
0xc1: {  	s0 =	sor.u32 s3, s0;
	s1 =	sshll.u32 s1, $0x11  }
0xc2: {  	s0 =	sor.u32 s1, s0  }
0xc3: {  	s0 =	sadd.s32 $0x8F2B, s0  }
0xc4: {  	[sflag:s0] =	ssyncadd.remote.s32 $0x1  }
0xc5: {  	_ =	sfence.sel $0xFFFF  }
0xc6: {  	[dreg:$0x0] =	wrdreg $0xFFFFFFFF;
	(pc) =	sbr.abs _section_cstart, $3  }
0xc7: {  	[dreg:$0x1] =	wrdreg $0xFFFFFFFF  }
0xc8: {  	_ =	task.clear_ibuf [dreg:s8], $0x2FFFF;
	_ =	strace $0x9FFFFFFF  }
0xc9: {  	(tm) =	ssettm $0x7FFFFFFF  }
tec
execute0_lowered:
.L_overlay_start_1:
0x0: {  	(tag) =	ssettag $0x1  }
0x1: {  	s5 =	rddreg [dreg:$0x0];
	s1 =	srdreg.scid  }
0x2: {  	s3 =	rddreg [dreg:$0x1];
	s0 =	stileid.u32;
	s23 =	sand.u32 $0x1, s1  }
0x3: {  	s14 =	rddreg [dreg:$0x2];
	s4 =	sshll.u32 s0, $0xC;
	s6 =	sshll.u32 s23, $0xB  }
0x4: {  	s2 =	simm.s32 $0x0;
	s1 =	rddreg [dreg:$0x3];
	s15 =	sor.u32 s6, s4  }
0x5: {  	[smem:$0x7FF] =	sst s2;
	s4 =	sshrl.u32 s15, $0x3  }
0x6: {  	_ =	strace $0x80000047;
	s3 =	sadd.s32 s3, s4;
	s4 =	simm.s32 $0x9  }
0x7: {  	[tilespmem:s2], [sflag:$0x9] =	stream.linear.gather [hbm4b:s3+s2], $0x800, $0x38;
	[tilespmem:$0x10800] =	vst v63  }
0x8: {  	_ =	swait.ge [sflag:s4], $0x800  }
0x9: {  	s7 =	simm.s32 $0x800;
	[sflag:s4] =	ssyncset.done $0x0  }
0xa: {  	s5 =	sadd.s32 $0x600, s5;
	s6 =	simm.s32 $0x200;
	[sflag:s4] =	ssyncadd.s32 $0xFFFFF800  }
0xb: {  	[tilespmem:s7], [sflag:$0x1] =	stream.indirect.gather [hbm4b:s5+s6], $0x20, s2, s6, $0xb8;
	[tilespmem:$0x10800] =	vst v63  }
0xc: {  	s8 =	simm.s32 $0x4800  }
0xd: {  	[tilespmem:s8], [sflag:$0x2] =	stream.indirect.gather [hbm4b:s5+s6], $0x20, s6, s6, $0xb8;
	[tilespmem:$0x10800] =	vst v63  }
0xe: {  	s9 =	simm.s32 $0x400;
	s10 =	simm.s32 $0x8800  }
0xf: {  	[tilespmem:s10], [sflag:$0x3] =	stream.indirect.gather [hbm4b:s5+s6], $0x20, s9, s6, $0xb8;
	[tilespmem:$0x10800] =	vst v63  }
0x10: {  	s11 =	simm.s32 $0x600;
	s12 =	simm.s32 $0xC800;
	s13 =	simm.s32 $0x1  }
0x11: {  	[tilespmem:s12], [sflag:$0x4] =	stream.indirect.gather [hbm4b:s5+s6], $0x20, s11, s6, $0xb8;
	[tilespmem:$0x10800] =	vst v63  }
0x12: {  	_ =	swait.ge [sflag:s13], $0x4000  }
0x13: {  	s15 =	sshll.u32 s15, $0x2;
	[sflag:s13] =	ssyncset.done $0x0  }
0x14: {  	s14 =	sadd.s32 s14, s15;
	s15 =	simm.s32 $0x2;
	[sflag:s13] =	ssyncadd.s32 $0xFFFFC000  }
0x15: {  	[hbm4b:s14+s2] =	stream.linear.scatter [tilespmem:s7], [sflag:$0x5], $0x4000, $0x38;
	[tilespmem:$0x10800] =	vst v63  }
0x16: {  	_ =	swait.ge [sflag:s15], $0x4000  }
0x17: {  	[sflag:s15] =	ssyncset.done $0x0  }
0x18: {  	s17 =	simm.s32 $0x3;
	s16 =	sadd.s32 $0x800, s14;
	[sflag:s15] =	ssyncadd.s32 $0xFFFFC000  }
0x19: {  	[hbm4b:s16+s2] =	stream.linear.scatter [tilespmem:s8], [sflag:$0x6], $0x4000, $0x38;
	[tilespmem:$0x10800] =	vst v63  }
0x1a: {  	_ =	swait.ge [sflag:s17], $0x4000  }
0x1b: {  	[sflag:s17] =	ssyncset.done $0x0  }
0x1c: {  	s19 =	simm.s32 $0x4;
	s18 =	sadd.s32 $0x1000, s14;
	[sflag:s17] =	ssyncadd.s32 $0xFFFFC000  }
0x1d: {  	[hbm4b:s18+s2] =	stream.linear.scatter [tilespmem:s10], [sflag:$0x7], $0x4000, $0x38;
	[tilespmem:$0x10800] =	vst v63  }
0x1e: {  	_ =	swait.ge [sflag:s19], $0x4000  }
0x1f: {  	[sflag:s19] =	ssyncset.done $0x0  }
0x20: {  	s21 =	simm.s32 $0x5;
	s20 =	sadd.s32 $0x1800, s14;
	[sflag:s19] =	ssyncadd.s32 $0xFFFFC000  }
0x21: {  	[hbm4b:s20+s2] =	stream.linear.scatter [tilespmem:s12], [sflag:$0x8], $0x4000, $0x38;
	[tilespmem:$0x10800] =	vst v63  }
0x22: {  	_ =	swait.ge [sflag:s21], $0x4000  }
0x23: {  	s24 =	ssub.s32 $0x2, s23;
	[sflag:s21] =	ssyncset.done $0x0  }
0x24: {  	s22 =	simm.s32 $0x6;
	s25 =	sshrl.u32 s24, $0x1;
	[sflag:s21] =	ssyncadd.s32 $0xFFFFC000  }
0x25: {  	s24 =	ssub.s32 s24, s25;
	_ =	swait.ge [sflag:s22], $0x4000  }
0x26: {  	s25 =	smax.u32 s24, $0x1;
	[sflag:s22] =	ssyncset.done $0x0  }
0x27: {  	s23 =	simm.s32 $0x7;
	p0 =	sne.s32 s25, $0x1;
	[sflag:s22] =	ssyncadd.s32 $0xFFFFC000  }
.Ltmp0:
0x28: {  	_ =	swait.ge [sflag:s23], $0x4000;
	(pc) =	sbr.rel @!p0 .LBB2_2-.Ltmp0, $4  }
0x29: {  	[sflag:s23] =	ssyncset.done $0x0  }
0x2a: {  	s24 =	simm.s32 $0x8;
	[sflag:s23] =	ssyncadd.s32 $0xFFFFC000  }
0x2b: {  	_ =	swait.ge [sflag:s24], $0x4000  }
0x2c: {  	s25 =	sadd.s32 $0xFFFFFFFF, s25;
	[sflag:s24] =	ssyncset.done $0x0  }
.LBB2_1:
0x2d: {  	p0 =	sne.s32 s25, $0x1;
	s25 =	sadd.s32 $0xFFFFFFFF, s25;
	[sflag:s24] =	ssyncadd.s32 $0xFFFFC000  }
0x2e: {  	[tilespmem:s2], [sflag:$0x9] =	stream.linear.gather [hbm4b:s3+s2], $0x800, $0x38;
	[tilespmem:$0x10800] =	vst v63  }
0x2f: {  	_ =	swait.ge [sflag:s4], $0x800  }
0x30: {  	[sflag:s4] =	ssyncset.done $0x0  }
0x31: {  	[sflag:s4] =	ssyncadd.s32 $0xFFFFF800  }
0x32: {  	[tilespmem:s7], [sflag:$0x1] =	stream.indirect.gather [hbm4b:s5+s6], $0x20, s2, s6, $0xb8;
	[tilespmem:$0x10800] =	vst v63  }
0x33: {  	_ = 	snop  }
0x34: {  	[tilespmem:s8], [sflag:$0x2] =	stream.indirect.gather [hbm4b:s5+s6], $0x20, s6, s6, $0xb8;
	[tilespmem:$0x10800] =	vst v63  }
0x35: {  	_ = 	snop  }
0x36: {  	[tilespmem:s10], [sflag:$0x3] =	stream.indirect.gather [hbm4b:s5+s6], $0x20, s9, s6, $0xb8;
	[tilespmem:$0x10800] =	vst v63  }
0x37: {  	_ = 	snop  }
0x38: {  	[tilespmem:s12], [sflag:$0x4] =	stream.indirect.gather [hbm4b:s5+s6], $0x20, s11, s6, $0xb8;
	[tilespmem:$0x10800] =	vst v63  }
0x39: {  	_ =	swait.ge [sflag:s13], $0x4000  }
0x3a: {  	[sflag:s13] =	ssyncset.done $0x0  }
0x3b: {  	[sflag:s13] =	ssyncadd.s32 $0xFFFFC000  }
0x3c: {  	[hbm4b:s14+s2] =	stream.linear.scatter [tilespmem:s7], [sflag:$0x5], $0x4000, $0x38;
	[tilespmem:$0x10800] =	vst v63  }
0x3d: {  	_ =	swait.ge [sflag:s15], $0x4000  }
0x3e: {  	[sflag:s15] =	ssyncset.done $0x0  }
0x3f: {  	[sflag:s15] =	ssyncadd.s32 $0xFFFFC000  }
0x40: {  	[hbm4b:s16+s2] =	stream.linear.scatter [tilespmem:s8], [sflag:$0x6], $0x4000, $0x38;
	[tilespmem:$0x10800] =	vst v63  }
0x41: {  	_ =	swait.ge [sflag:s17], $0x4000  }
0x42: {  	[sflag:s17] =	ssyncset.done $0x0  }
0x43: {  	[sflag:s17] =	ssyncadd.s32 $0xFFFFC000  }
0x44: {  	[hbm4b:s18+s2] =	stream.linear.scatter [tilespmem:s10], [sflag:$0x7], $0x4000, $0x38;
	[tilespmem:$0x10800] =	vst v63  }
0x45: {  	_ =	swait.ge [sflag:s19], $0x4000  }
0x46: {  	[sflag:s19] =	ssyncset.done $0x0  }
0x47: {  	[sflag:s19] =	ssyncadd.s32 $0xFFFFC000  }
0x48: {  	[hbm4b:s20+s2] =	stream.linear.scatter [tilespmem:s12], [sflag:$0x8], $0x4000, $0x38;
	[tilespmem:$0x10800] =	vst v63  }
0x49: {  	_ =	swait.ge [sflag:s21], $0x4000  }
0x4a: {  	[sflag:s21] =	ssyncset.done $0x0  }
0x4b: {  	[sflag:s21] =	ssyncadd.s32 $0xFFFFC000  }
0x4c: {  	_ =	swait.ge [sflag:s22], $0x4000  }
0x4d: {  	[sflag:s22] =	ssyncset.done $0x0  }
0x4e: {  	[sflag:s22] =	ssyncadd.s32 $0xFFFFC000  }
.Ltmp1:
0x4f: {  	_ =	swait.ge [sflag:s23], $0x4000;
	(pc) =	sbr.rel @p0 .LBB2_1-.Ltmp1, $4  }
0x50: {  	[sflag:s23] =	ssyncset.done $0x0  }
0x51: {  	[sflag:s23] =	ssyncadd.s32 $0xFFFFC000  }
0x52: {  	_ =	swait.ge [sflag:s24], $0x4000  }
0x53: {  	[sflag:s24] =	ssyncset.done $0x0  }
.LBB2_2:
0x54: {  	[sflag:s24] =	ssyncadd.s32 $0xFFFFC000  }
0x55: {  	_ =	sfence.sel $0x180000  }
0x56: {  	[bflag:$0x0] =	sbarrier.arrive $0xFFFF  }
0x57: {  	p0 =	sne.s32 s0, $0x0;
	_ =	strace $0x90000047  }
0x58: {  	s0 =	sadd.s32 @!p0 $0x100000, s1;
	[bflag:$0x2] =	sbarrier.arrive $0xFFFF  }
0x59: {  	[sflag:s0] =	ssyncadd.tile.s32 @!p0 $0x1;
	_ =	shalt  }
.Lfunc_end2:
_tile_overlayer_lowered:
.L_overlay_start_2:
0x5a: {  	(tag) =	ssettag $0x2  }
0x5b: {  	s0 =	rddreg [dreg:$0x0];
	s2 =	stileid.u32  }
0x5c: {  	s1 =	rddreg [dreg:$0x1];
	p0 =	sne.s32 s2, $0x0  }
0x5d: {  	s3 =	rddreg [dreg:$0x2];
	[bflag:$0x3] =	sbarrier.arrive $0xFFFF;
	s2 =	simm.s32 @!p0 $0x1C09  }
0x5e: {  	[timem:s3], [sflag:s2] =	dma.local @!p0 [hbm:s0], s1  }
0x5f: {  	s0 =	simm.s32 @!p0 $0x9  }
0x60: {  	_ =	swait.ge @!p0 [sflag:s0], s1  }
0x61: {  	s1 =	ssub.s32 @!p0 $0x0, s1;
	[sflag:s0] =	ssyncset.done @!p0 $0x0  }
0x62: {  	[sflag:s0] =	ssyncadd.s32 @!p0 s1  }
0x63: {  	[bflag:$0x3] =	sbarrier.arrive $0xFFFF  }
0x64: {  	_ =	shalt  }

</sc_bundles>
